<compile_context>
chip_gen: v7x
topology: tpu7x:2x2x1
jax: 0.10.2.dev20260603
libtpu: 0.0.44.dev20260713+nightly
codegen_flags: <defaults>
</compile_context>

<pallas_src>
import functools

import jax
import jax.numpy as jnp
from jax import lax
from jax.experimental import pallas as pl
from jax.experimental.pallas import tpu as pltpu
from jax.experimental.pallas import tpu_sc as plsc

B_TOK, SEQ = 16384, 50
V, D = 1000000, 64
B = B_TOK * SEQ
NC, NS = 2, 16
NW = NC * NS
B_PER_W = B // NW
CHUNK = 640
SUB = 128
K = CHUNK // SUB
N_CHUNKS = B_PER_W // CHUNK
NBUF = 2
N_GROUPS = N_CHUNKS // NBUF

_mesh = plsc.VectorSubcoreMesh(core_axis_name="c", subcore_axis_name="s")


@functools.partial(
    pl.kernel,
    mesh=_mesh,
    out_type=jax.ShapeDtypeStruct((B, D), jnp.float32),
    scratch_types=[
        pltpu.VMEM((NBUF, CHUNK), jnp.int32),
        pltpu.VMEM((NBUF, CHUNK, D), jnp.float32),
        pltpu.SemaphoreType.DMA((NBUF,)),
        pltpu.SemaphoreType.DMA((NBUF,)),
    ],
    compiler_params=pltpu.CompilerParams(use_tc_tiling_on_sc=False),
)
def _gather_kernel(table_hbm, idx_hbm, out_hbm, idx_v, rows_v, gsem, wsem):
    wid = lax.axis_index("s") * NC + lax.axis_index("c")
    base = wid * B_PER_W

    def fire_gathers(b):
        for j in range(K):
            pltpu.async_copy(
                table_hbm.at[idx_v.at[b, pl.ds(j * SUB, SUB)]],
                rows_v.at[b, pl.ds(j * SUB, SUB)], gsem.at[b])

    def start_gather(ck, b):
        off = base + ck * CHUNK
        pltpu.sync_copy(idx_hbm.at[pl.ds(off, CHUNK)], idx_v.at[b])
        fire_gathers(b)

    for b in range(NBUF):
        start_gather(b, b)

    def body(i, carry):
        for b in range(NBUF):
            ck = i * NBUF + b
            pltpu.make_async_copy(table_hbm.at[idx_v.at[b]], rows_v.at[b],
                                  gsem.at[b]).wait()
            pltpu.async_copy(
                rows_v.at[b], out_hbm.at[pl.ds(base + ck * CHUNK, CHUNK)],
                wsem.at[b])
            nk = ck + NBUF
            off = base + nk * CHUNK
            pltpu.sync_copy(idx_hbm.at[pl.ds(off, CHUNK)], idx_v.at[b])
            pltpu.make_async_copy(
                rows_v.at[b], out_hbm.at[pl.ds(base + ck * CHUNK, CHUNK)],
                wsem.at[b]).wait()
            fire_gathers(b)
        return carry

    lax.fori_loop(0, N_GROUPS - 1, body, 0)

    for b in range(NBUF):
        ck = (N_GROUPS - 1) * NBUF + b
        pltpu.make_async_copy(table_hbm.at[idx_v.at[b]], rows_v.at[b],
                              gsem.at[b]).wait()
        pltpu.async_copy(rows_v.at[b],
                         out_hbm.at[pl.ds(base + ck * CHUNK, CHUNK)],
                         wsem.at[b])
    for b in range(NBUF):
        ck = (N_GROUPS - 1) * NBUF + b
        pltpu.make_async_copy(rows_v.at[b],
                              out_hbm.at[pl.ds(base + ck * CHUNK, CHUNK)],
                              wsem.at[b]).wait()


def kernel(token_ids, weights):
    flat = jnp.swapaxes(token_ids, 0, 1).reshape(-1).astype(jnp.int32)
    out = _gather_kernel(weights, flat)
    return jnp.swapaxes(out.reshape(SEQ, B_TOK, D), 0, 1)

# --- scband reference (transcript-rebuilt; emitter-appended) ---
"""Pipeline reference for scband-embedding-73229192396961 (READ-ONLY COPY).

The authoritative reference and input builder live on the scoring server;
editing this copy changes nothing except your own understanding.
"""

import jax, jax.numpy as jnp
import numpy as np

NUM_EMBEDDINGS = 1000000
EMBEDDING_DIM = 64

def setup_inputs(seed: int = 0) -> dict:
    key = jax.random.key(seed)
    k_idx, k_w = jax.random.split(key)
    token_ids = jax.random.randint(k_idx, (16384, 50), 0, NUM_EMBEDDINGS, dtype=jnp.int64 if jax.config.jax_enable_x64 else jnp.int32)
    weights = jax.random.normal(k_w, (NUM_EMBEDDINGS, EMBEDDING_DIM), dtype=jnp.float32)
    return {"token_ids": token_ids, "weights": weights}

def reference(token_ids, weights):
    # Faithful translation of Embedding.forward: self._weights[token_ids]
    return jnp.take(weights, token_ids, axis=0)

if __name__ == "__main__":
    import jax
    _d = setup_inputs()
    print(jax.jit(kernel)(*tuple(_d.values())))

</pallas_src>

<mosaic_0001>
#map = affine_map<(d0, d1) -> (0, 0)>
#map1 = affine_map<(d0, d1) -> (0)>
module attributes {stable_mosaic.version = 14 : i64} {
  func.func @_gather_kernel(%arg0: i32, %arg1: i32, %arg2: memref<1000000x64xf32, #tpu.memory_space<hbm>>, %arg3: memref<819200xi32, #tpu.memory_space<hbm>>, %arg4: memref<819200x64xf32, #tpu.memory_space<hbm>>, %arg5: memref<2x640xi32, #tpu.memory_space<vmem>>, %arg6: memref<2x640x64xf32, #tpu.memory_space<vmem>>, %arg7: memref<2x!tpu.dma_semaphore, #tpu.memory_space<semaphore_mem>>, %arg8: memref<2x!tpu.dma_semaphore, #tpu.memory_space<semaphore_mem>>) attributes {dimension_semantics = [#tpu.dimension_semantics<core_parallel>, #tpu.dimension_semantics<subcore_parallel>], iteration_bounds = array<i64: 2, 16>, scalar_prefetch = 0 : i64, scratch_operands = 4 : i64, tpu.core_type = #tpu.core_type<sc_vector_subcore>, window_params = [{transform_indices = #map}, {transform_indices = #map1}, {transform_indices = #map}]} {
    %mul3A = arith.constant 2 : i32
    %mul3A_0 = arith.muli %arg1, %mul3A : i32
    %add3A = arith.addi %mul3A_0, %arg0 : i32
    %mul3A_1 = arith.constant 25600 : i32
    %mul3A_2 = arith.muli %add3A, %mul3A_1 : i32
    %add3A_3 = arith.constant 0 : i32
    %add3A_4 = arith.addi %mul3A_2, %add3A_3 : i32
    %run_scoped3A = arith.constant 0 : i32
    "tpu.region"() ({
      %run_scoped3A_263 = tpu.sem_alloc : memref<!tpu.dma_semaphore, #tpu.memory_space<semaphore_mem>>
      %dma_start3A_264 = arith.constant 0 : i32
      %dma_start3A_265 = tpu.memref_slice %arg5[%run_scoped3A, %dma_start3A_264] : memref<2x640xi32, #tpu.memory_space<vmem>> -> memref<1x640xi32, #tpu.memory_space<vmem>>
      %dma_start3A_266 = tpu.memref_squeeze %dma_start3A_265 : memref<1x640xi32, #tpu.memory_space<vmem>> -> memref<640xi32, #tpu.memory_space<vmem>>
      %dma_start3A_267 = tpu.memref_slice %arg3[%add3A_4] : memref<819200xi32, #tpu.memory_space<hbm>> -> memref<640xi32, #tpu.memory_space<hbm>>
      %dma_start3A_268 = arith.constant 0 : i32
      %dma_start3A_269 = tpu.memref_slice %arg5[%run_scoped3A, %dma_start3A_268] : memref<2x640xi32, #tpu.memory_space<vmem>> -> memref<1x640xi32, #tpu.memory_space<vmem>>
      %dma_start3A_270 = tpu.memref_squeeze %dma_start3A_269 : memref<1x640xi32, #tpu.memory_space<vmem>> -> memref<640xi32, #tpu.memory_space<vmem>>
      %dma_start3A_271 = tpu.memref_slice %arg3[%add3A_4] : memref<819200xi32, #tpu.memory_space<hbm>> -> memref<640xi32, #tpu.memory_space<hbm>>
      tpu.enqueue_dma source(%dma_start3A_271 : memref<640xi32, #tpu.memory_space<hbm>>) target(%dma_start3A_270 : memref<640xi32, #tpu.memory_space<vmem>>) target_semaphore(%run_scoped3A_263 : memref<!tpu.dma_semaphore, #tpu.memory_space<semaphore_mem>>)
      %dma_wait3A_272 = arith.constant 0 : i32
      %dma_wait3A_273 = tpu.memref_slice %arg5[%run_scoped3A, %dma_wait3A_272] : memref<2x640xi32, #tpu.memory_space<vmem>> -> memref<1x640xi32, #tpu.memory_space<vmem>>
      %dma_wait3A_274 = tpu.memref_squeeze %dma_wait3A_273 : memref<1x640xi32, #tpu.memory_space<vmem>> -> memref<640xi32, #tpu.memory_space<vmem>>
      %dma_wait3A_275 = tpu.memref_slice %arg3[%add3A_4] : memref<819200xi32, #tpu.memory_space<hbm>> -> memref<640xi32, #tpu.memory_space<hbm>>
      %dma_wait3A_276 = arith.constant 0 : i32
      %dma_wait3A_277 = tpu.memref_slice %arg5[%run_scoped3A, %dma_wait3A_276] : memref<2x640xi32, #tpu.memory_space<vmem>> -> memref<1x640xi32, #tpu.memory_space<vmem>>
      %dma_wait3A_278 = tpu.memref_squeeze %dma_wait3A_277 : memref<1x640xi32, #tpu.memory_space<vmem>> -> memref<640xi32, #tpu.memory_space<vmem>>
      %dma_wait3A_279 = tpu.memref_slice %arg3[%add3A_4] : memref<819200xi32, #tpu.memory_space<hbm>> -> memref<640xi32, #tpu.memory_space<hbm>>
      tpu.wait_dma2 semaphore(%run_scoped3A_263 : memref<!tpu.dma_semaphore, #tpu.memory_space<semaphore_mem>>) src(%dma_wait3A_279 : memref<640xi32, #tpu.memory_space<hbm>>) dst(%dma_wait3A_278 : memref<640xi32, #tpu.memory_space<vmem>>)
      tpu.yield
    }) : () -> ()
    %dma_start3A = arith.constant 0 : i32
    %dma_start3A_5 = arith.constant 0 : i32
    %dma_start3A_6 = arith.constant 0 : i32
    %dma_start3A_7 = arith.constant 0 : i32
    %dma_start3A_8 = arith.constant 0 : i32
    %dma_start3A_9 = tpu.memref_slice %arg6[%dma_start3A_5, %dma_start3A_7, %dma_start3A_8] : memref<2x640x64xf32, #tpu.memory_space<vmem>> -> memref<1x128x64xf32, #tpu.memory_space<vmem>>
    %dma_start3A_10 = tpu.memref_squeeze %dma_start3A_9 : memref<1x128x64xf32, #tpu.memory_space<vmem>> -> memref<128x64xf32, #tpu.memory_space<vmem>>
    %dma_start3A_11 = arith.constant 0 : i32
    %dma_start3A_12 = tpu.memref_slice %arg5[%dma_start3A, %dma_start3A_11] : memref<2x640xi32, #tpu.memory_space<vmem>> -> memref<1x128xi32, #tpu.memory_space<vmem>>
    %dma_start3A_13 = tpu.memref_squeeze %dma_start3A_12 : memref<1x128xi32, #tpu.memory_space<vmem>> -> memref<128xi32, #tpu.memory_space<vmem>>
    %dma_start3A_14 = arith.constant 0 : i32
    %dma_start3A_15 = arith.constant 0 : i32
    %dma_start3A_16 = tpu.memref_slice %arg2[%dma_start3A_14, %dma_start3A_15] : memref<1000000x64xf32, #tpu.memory_space<hbm>> -> memref<1000000x64xf32, #tpu.memory_space<hbm>>
    %dma_start3A_17 = tpu.memref_slice %arg7[%dma_start3A_6] : memref<2x!tpu.dma_semaphore, #tpu.memory_space<semaphore_mem>> -> memref<1x!tpu.dma_semaphore, #tpu.memory_space<semaphore_mem>>
    %dma_start3A_18 = tpu.memref_squeeze %dma_start3A_17 : memref<1x!tpu.dma_semaphore, #tpu.memory_space<semaphore_mem>> -> memref<!tpu.dma_semaphore, #tpu.memory_space<semaphore_mem>>
    tpu.enqueue_indirect_dma source(%dma_start3A_16 : memref<1000000x64xf32, #tpu.memory_space<hbm>>) target(%dma_start3A_10 : memref<128x64xf32, #tpu.memory_space<vmem>>) offsets(%dma_start3A_13 : memref<128xi32, #tpu.memory_space<vmem>>) semaphore(%dma_start3A_18 : memref<!tpu.dma_semaphore, #tpu.memory_space<semaphore_mem>>)
    %dma_start3A_19 = arith.constant 0 : i32
    %dma_start3A_20 = arith.constant 0 : i32
    %dma_start3A_21 = arith.constant 0 : i32
    %dma_start3A_22 = arith.constant 128 : i32
    %dma_start3A_23 = arith.constant 0 : i32
    %dma_start3A_24 = tpu.memref_slice %arg6[%dma_start3A_20, %dma_start3A_22, %dma_start3A_23] : memref<2x640x64xf32, #tpu.memory_space<vmem>> -> memref<1x128x64xf32, #tpu.memory_space<vmem>>
    %dma_start3A_25 = tpu.memref_squeeze %dma_start3A_24 : memref<1x128x64xf32, #tpu.memory_space<vmem>> -> memref<128x64xf32, #tpu.memory_space<vmem>>
    %dma_start3A_26 = arith.constant 128 : i32
    %dma_start3A_27 = tpu.memref_slice %arg5[%dma_start3A_19, %dma_start3A_26] : memref<2x640xi32, #tpu.memory_space<vmem>> -> memref<1x128xi32, #tpu.memory_space<vmem>>
    %dma_start3A_28 = tpu.memref_squeeze %dma_start3A_27 : memref<1x128xi32, #tpu.memory_space<vmem>> -> memref<128xi32, #tpu.memory_space<vmem>>
    %dma_start3A_29 = arith.constant 0 : i32
    %dma_start3A_30 = arith.constant 0 : i32
    %dma_start3A_31 = tpu.memref_slice %arg2[%dma_start3A_29, %dma_start3A_30] : memref<1000000x64xf32, #tpu.memory_space<hbm>> -> memref<1000000x64xf32, #tpu.memory_space<hbm>>
    %dma_start3A_32 = tpu.memref_slice %arg7[%dma_start3A_21] : memref<2x!tpu.dma_semaphore, #tpu.memory_space<semaphore_mem>> -> memref<1x!tpu.dma_semaphore, #tpu.memory_space<semaphore_mem>>
    %dma_start3A_33 = tpu.memref_squeeze %dma_start3A_32 : memref<1x!tpu.dma_semaphore, #tpu.memory_space<semaphore_mem>> -> memref<!tpu.dma_semaphore, #tpu.memory_space<semaphore_mem>>
    tpu.enqueue_indirect_dma source(%dma_start3A_31 : memref<1000000x64xf32, #tpu.memory_space<hbm>>) target(%dma_start3A_25 : memref<128x64xf32, #tpu.memory_space<vmem>>) offsets(%dma_start3A_28 : memref<128xi32, #tpu.memory_space<vmem>>) semaphore(%dma_start3A_33 : memref<!tpu.dma_semaphore, #tpu.memory_space<semaphore_mem>>)
    %dma_start3A_34 = arith.constant 0 : i32
    %dma_start3A_35 = arith.constant 0 : i32
    %dma_start3A_36 = arith.constant 0 : i32
    %dma_start3A_37 = arith.constant 256 : i32
    %dma_start3A_38 = arith.constant 0 : i32
    %dma_start3A_39 = tpu.memref_slice %arg6[%dma_start3A_35, %dma_start3A_37, %dma_start3A_38] : memref<2x640x64xf32, #tpu.memory_space<vmem>> -> memref<1x128x64xf32, #tpu.memory_space<vmem>>
    %dma_start3A_40 = tpu.memref_squeeze %dma_start3A_39 : memref<1x128x64xf32, #tpu.memory_space<vmem>> -> memref<128x64xf32, #tpu.memory_space<vmem>>
    %dma_start3A_41 = arith.constant 256 : i32
    %dma_start3A_42 = tpu.memref_slice %arg5[%dma_start3A_34, %dma_start3A_41] : memref<2x640xi32, #tpu.memory_space<vmem>> -> memref<1x128xi32, #tpu.memory_space<vmem>>
    %dma_start3A_43 = tpu.memref_squeeze %dma_start3A_42 : memref<1x128xi32, #tpu.memory_space<vmem>> -> memref<128xi32, #tpu.memory_space<vmem>>
    %dma_start3A_44 = arith.constant 0 : i32
    %dma_start3A_45 = arith.constant 0 : i32
    %dma_start3A_46 = tpu.memref_slice %arg2[%dma_start3A_44, %dma_start3A_45] : memref<1000000x64xf32, #tpu.memory_space<hbm>> -> memref<1000000x64xf32, #tpu.memory_space<hbm>>
    %dma_start3A_47 = tpu.memref_slice %arg7[%dma_start3A_36] : memref<2x!tpu.dma_semaphore, #tpu.memory_space<semaphore_mem>> -> memref<1x!tpu.dma_semaphore, #tpu.memory_space<semaphore_mem>>
    %dma_start3A_48 = tpu.memref_squeeze %dma_start3A_47 : memref<1x!tpu.dma_semaphore, #tpu.memory_space<semaphore_mem>> -> memref<!tpu.dma_semaphore, #tpu.memory_space<semaphore_mem>>
    tpu.enqueue_indirect_dma source(%dma_start3A_46 : memref<1000000x64xf32, #tpu.memory_space<hbm>>) target(%dma_start3A_40 : memref<128x64xf32, #tpu.memory_space<vmem>>) offsets(%dma_start3A_43 : memref<128xi32, #tpu.memory_space<vmem>>) semaphore(%dma_start3A_48 : memref<!tpu.dma_semaphore, #tpu.memory_space<semaphore_mem>>)
    %dma_start3A_49 = arith.constant 0 : i32
    %dma_start3A_50 = arith.constant 0 : i32
    %dma_start3A_51 = arith.constant 0 : i32
    %dma_start3A_52 = arith.constant 384 : i32
    %dma_start3A_53 = arith.constant 0 : i32
    %dma_start3A_54 = tpu.memref_slice %arg6[%dma_start3A_50, %dma_start3A_52, %dma_start3A_53] : memref<2x640x64xf32, #tpu.memory_space<vmem>> -> memref<1x128x64xf32, #tpu.memory_space<vmem>>
    %dma_start3A_55 = tpu.memref_squeeze %dma_start3A_54 : memref<1x128x64xf32, #tpu.memory_space<vmem>> -> memref<128x64xf32, #tpu.memory_space<vmem>>
    %dma_start3A_56 = arith.constant 384 : i32
    %dma_start3A_57 = tpu.memref_slice %arg5[%dma_start3A_49, %dma_start3A_56] : memref<2x640xi32, #tpu.memory_space<vmem>> -> memref<1x128xi32, #tpu.memory_space<vmem>>
    %dma_start3A_58 = tpu.memref_squeeze %dma_start3A_57 : memref<1x128xi32, #tpu.memory_space<vmem>> -> memref<128xi32, #tpu.memory_space<vmem>>
    %dma_start3A_59 = arith.constant 0 : i32
    %dma_start3A_60 = arith.constant 0 : i32
    %dma_start3A_61 = tpu.memref_slice %arg2[%dma_start3A_59, %dma_start3A_60] : memref<1000000x64xf32, #tpu.memory_space<hbm>> -> memref<1000000x64xf32, #tpu.memory_space<hbm>>
    %dma_start3A_62 = tpu.memref_slice %arg7[%dma_start3A_51] : memref<2x!tpu.dma_semaphore, #tpu.memory_space<semaphore_mem>> -> memref<1x!tpu.dma_semaphore, #tpu.memory_space<semaphore_mem>>
    %dma_start3A_63 = tpu.memref_squeeze %dma_start3A_62 : memref<1x!tpu.dma_semaphore, #tpu.memory_space<semaphore_mem>> -> memref<!tpu.dma_semaphore, #tpu.memory_space<semaphore_mem>>
    tpu.enqueue_indirect_dma source(%dma_start3A_61 : memref<1000000x64xf32, #tpu.memory_space<hbm>>) target(%dma_start3A_55 : memref<128x64xf32, #tpu.memory_space<vmem>>) offsets(%dma_start3A_58 : memref<128xi32, #tpu.memory_space<vmem>>) semaphore(%dma_start3A_63 : memref<!tpu.dma_semaphore, #tpu.memory_space<semaphore_mem>>)
    %dma_start3A_64 = arith.constant 0 : i32
    %dma_start3A_65 = arith.constant 0 : i32
    %dma_start3A_66 = arith.constant 0 : i32
    %dma_start3A_67 = arith.constant 512 : i32
    %dma_start3A_68 = arith.constant 0 : i32
    %dma_start3A_69 = tpu.memref_slice %arg6[%dma_start3A_65, %dma_start3A_67, %dma_start3A_68] : memref<2x640x64xf32, #tpu.memory_space<vmem>> -> memref<1x128x64xf32, #tpu.memory_space<vmem>>
    %dma_start3A_70 = tpu.memref_squeeze %dma_start3A_69 : memref<1x128x64xf32, #tpu.memory_space<vmem>> -> memref<128x64xf32, #tpu.memory_space<vmem>>
    %dma_start3A_71 = arith.constant 512 : i32
    %dma_start3A_72 = tpu.memref_slice %arg5[%dma_start3A_64, %dma_start3A_71] : memref<2x640xi32, #tpu.memory_space<vmem>> -> memref<1x128xi32, #tpu.memory_space<vmem>>
    %dma_start3A_73 = tpu.memref_squeeze %dma_start3A_72 : memref<1x128xi32, #tpu.memory_space<vmem>> -> memref<128xi32, #tpu.memory_space<vmem>>
    %dma_start3A_74 = arith.constant 0 : i32
    %dma_start3A_75 = arith.constant 0 : i32
    %dma_start3A_76 = tpu.memref_slice %arg2[%dma_start3A_74, %dma_start3A_75] : memref<1000000x64xf32, #tpu.memory_space<hbm>> -> memref<1000000x64xf32, #tpu.memory_space<hbm>>
    %dma_start3A_77 = tpu.memref_slice %arg7[%dma_start3A_66] : memref<2x!tpu.dma_semaphore, #tpu.memory_space<semaphore_mem>> -> memref<1x!tpu.dma_semaphore, #tpu.memory_space<semaphore_mem>>
    %dma_start3A_78 = tpu.memref_squeeze %dma_start3A_77 : memref<1x!tpu.dma_semaphore, #tpu.memory_space<semaphore_mem>> -> memref<!tpu.dma_semaphore, #tpu.memory_space<semaphore_mem>>
    tpu.enqueue_indirect_dma source(%dma_start3A_76 : memref<1000000x64xf32, #tpu.memory_space<hbm>>) target(%dma_start3A_70 : memref<128x64xf32, #tpu.memory_space<vmem>>) offsets(%dma_start3A_73 : memref<128xi32, #tpu.memory_space<vmem>>) semaphore(%dma_start3A_78 : memref<!tpu.dma_semaphore, #tpu.memory_space<semaphore_mem>>)
    %add3A_79 = arith.constant 640 : i32
    %add3A_80 = arith.addi %mul3A_2, %add3A_79 : i32
    %run_scoped3A_81 = arith.constant 1 : i32
    "tpu.region"() ({
      %run_scoped3A_263 = tpu.sem_alloc : memref<!tpu.dma_semaphore, #tpu.memory_space<semaphore_mem>>
      %dma_start3A_264 = arith.constant 0 : i32
      %dma_start3A_265 = tpu.memref_slice %arg5[%run_scoped3A_81, %dma_start3A_264] : memref<2x640xi32, #tpu.memory_space<vmem>> -> memref<1x640xi32, #tpu.memory_space<vmem>>
      %dma_start3A_266 = tpu.memref_squeeze %dma_start3A_265 : memref<1x640xi32, #tpu.memory_space<vmem>> -> memref<640xi32, #tpu.memory_space<vmem>>
      %dma_start3A_267 = tpu.memref_slice %arg3[%add3A_80] : memref<819200xi32, #tpu.memory_space<hbm>> -> memref<640xi32, #tpu.memory_space<hbm>>
      %dma_start3A_268 = arith.constant 0 : i32
      %dma_start3A_269 = tpu.memref_slice %arg5[%run_scoped3A_81, %dma_start3A_268] : memref<2x640xi32, #tpu.memory_space<vmem>> -> memref<1x640xi32, #tpu.memory_space<vmem>>
      %dma_start3A_270 = tpu.memref_squeeze %dma_start3A_269 : memref<1x640xi32, #tpu.memory_space<vmem>> -> memref<640xi32, #tpu.memory_space<vmem>>
      %dma_start3A_271 = tpu.memref_slice %arg3[%add3A_80] : memref<819200xi32, #tpu.memory_space<hbm>> -> memref<640xi32, #tpu.memory_space<hbm>>
      tpu.enqueue_dma source(%dma_start3A_271 : memref<640xi32, #tpu.memory_space<hbm>>) target(%dma_start3A_270 : memref<640xi32, #tpu.memory_space<vmem>>) target_semaphore(%run_scoped3A_263 : memref<!tpu.dma_semaphore, #tpu.memory_space<semaphore_mem>>)
      %dma_wait3A_272 = arith.constant 0 : i32
      %dma_wait3A_273 = tpu.memref_slice %arg5[%run_scoped3A_81, %dma_wait3A_272] : memref<2x640xi32, #tpu.memory_space<vmem>> -> memref<1x640xi32, #tpu.memory_space<vmem>>
      %dma_wait3A_274 = tpu.memref_squeeze %dma_wait3A_273 : memref<1x640xi32, #tpu.memory_space<vmem>> -> memref<640xi32, #tpu.memory_space<vmem>>
      %dma_wait3A_275 = tpu.memref_slice %arg3[%add3A_80] : memref<819200xi32, #tpu.memory_space<hbm>> -> memref<640xi32, #tpu.memory_space<hbm>>
      %dma_wait3A_276 = arith.constant 0 : i32
      %dma_wait3A_277 = tpu.memref_slice %arg5[%run_scoped3A_81, %dma_wait3A_276] : memref<2x640xi32, #tpu.memory_space<vmem>> -> memref<1x640xi32, #tpu.memory_space<vmem>>
      %dma_wait3A_278 = tpu.memref_squeeze %dma_wait3A_277 : memref<1x640xi32, #tpu.memory_space<vmem>> -> memref<640xi32, #tpu.memory_space<vmem>>
      %dma_wait3A_279 = tpu.memref_slice %arg3[%add3A_80] : memref<819200xi32, #tpu.memory_space<hbm>> -> memref<640xi32, #tpu.memory_space<hbm>>
      tpu.wait_dma2 semaphore(%run_scoped3A_263 : memref<!tpu.dma_semaphore, #tpu.memory_space<semaphore_mem>>) src(%dma_wait3A_279 : memref<640xi32, #tpu.memory_space<hbm>>) dst(%dma_wait3A_278 : memref<640xi32, #tpu.memory_space<vmem>>)
      tpu.yield
    }) : () -> ()
    %dma_start3A_82 = arith.constant 1 : i32
    %dma_start3A_83 = arith.constant 1 : i32
    %dma_start3A_84 = arith.constant 1 : i32
    %dma_start3A_85 = arith.constant 0 : i32
    %dma_start3A_86 = arith.constant 0 : i32
    %dma_start3A_87 = tpu.memref_slice %arg6[%dma_start3A_83, %dma_start3A_85, %dma_start3A_86] : memref<2x640x64xf32, #tpu.memory_space<vmem>> -> memref<1x128x64xf32, #tpu.memory_space<vmem>>
    %dma_start3A_88 = tpu.memref_squeeze %dma_start3A_87 : memref<1x128x64xf32, #tpu.memory_space<vmem>> -> memref<128x64xf32, #tpu.memory_space<vmem>>
    %dma_start3A_89 = arith.constant 0 : i32
    %dma_start3A_90 = tpu.memref_slice %arg5[%dma_start3A_82, %dma_start3A_89] : memref<2x640xi32, #tpu.memory_space<vmem>> -> memref<1x128xi32, #tpu.memory_space<vmem>>
    %dma_start3A_91 = tpu.memref_squeeze %dma_start3A_90 : memref<1x128xi32, #tpu.memory_space<vmem>> -> memref<128xi32, #tpu.memory_space<vmem>>
    %dma_start3A_92 = arith.constant 0 : i32
    %dma_start3A_93 = arith.constant 0 : i32
    %dma_start3A_94 = tpu.memref_slice %arg2[%dma_start3A_92, %dma_start3A_93] : memref<1000000x64xf32, #tpu.memory_space<hbm>> -> memref<1000000x64xf32, #tpu.memory_space<hbm>>
    %dma_start3A_95 = tpu.memref_slice %arg7[%dma_start3A_84] : memref<2x!tpu.dma_semaphore, #tpu.memory_space<semaphore_mem>> -> memref<1x!tpu.dma_semaphore, #tpu.memory_space<semaphore_mem>>
    %dma_start3A_96 = tpu.memref_squeeze %dma_start3A_95 : memref<1x!tpu.dma_semaphore, #tpu.memory_space<semaphore_mem>> -> memref<!tpu.dma_semaphore, #tpu.memory_space<semaphore_mem>>
    tpu.enqueue_indirect_dma source(%dma_start3A_94 : memref<1000000x64xf32, #tpu.memory_space<hbm>>) target(%dma_start3A_88 : memref<128x64xf32, #tpu.memory_space<vmem>>) offsets(%dma_start3A_91 : memref<128xi32, #tpu.memory_space<vmem>>) semaphore(%dma_start3A_96 : memref<!tpu.dma_semaphore, #tpu.memory_space<semaphore_mem>>)
    %dma_start3A_97 = arith.constant 1 : i32
    %dma_start3A_98 = arith.constant 1 : i32
    %dma_start3A_99 = arith.constant 1 : i32
    %dma_start3A_100 = arith.constant 128 : i32
    %dma_start3A_101 = arith.constant 0 : i32
    %dma_start3A_102 = tpu.memref_slice %arg6[%dma_start3A_98, %dma_start3A_100, %dma_start3A_101] : memref<2x640x64xf32, #tpu.memory_space<vmem>> -> memref<1x128x64xf32, #tpu.memory_space<vmem>>
    %dma_start3A_103 = tpu.memref_squeeze %dma_start3A_102 : memref<1x128x64xf32, #tpu.memory_space<vmem>> -> memref<128x64xf32, #tpu.memory_space<vmem>>
    %dma_start3A_104 = arith.constant 128 : i32
    %dma_start3A_105 = tpu.memref_slice %arg5[%dma_start3A_97, %dma_start3A_104] : memref<2x640xi32, #tpu.memory_space<vmem>> -> memref<1x128xi32, #tpu.memory_space<vmem>>
    %dma_start3A_106 = tpu.memref_squeeze %dma_start3A_105 : memref<1x128xi32, #tpu.memory_space<vmem>> -> memref<128xi32, #tpu.memory_space<vmem>>
    %dma_start3A_107 = arith.constant 0 : i32
    %dma_start3A_108 = arith.constant 0 : i32
    %dma_start3A_109 = tpu.memref_slice %arg2[%dma_start3A_107, %dma_start3A_108] : memref<1000000x64xf32, #tpu.memory_space<hbm>> -> memref<1000000x64xf32, #tpu.memory_space<hbm>>
    %dma_start3A_110 = tpu.memref_slice %arg7[%dma_start3A_99] : memref<2x!tpu.dma_semaphore, #tpu.memory_space<semaphore_mem>> -> memref<1x!tpu.dma_semaphore, #tpu.memory_space<semaphore_mem>>
    %dma_start3A_111 = tpu.memref_squeeze %dma_start3A_110 : memref<1x!tpu.dma_semaphore, #tpu.memory_space<semaphore_mem>> -> memref<!tpu.dma_semaphore, #tpu.memory_space<semaphore_mem>>
    tpu.enqueue_indirect_dma source(%dma_start3A_109 : memref<1000000x64xf32, #tpu.memory_space<hbm>>) target(%dma_start3A_103 : memref<128x64xf32, #tpu.memory_space<vmem>>) offsets(%dma_start3A_106 : memref<128xi32, #tpu.memory_space<vmem>>) semaphore(%dma_start3A_111 : memref<!tpu.dma_semaphore, #tpu.memory_space<semaphore_mem>>)
    %dma_start3A_112 = arith.constant 1 : i32
    %dma_start3A_113 = arith.constant 1 : i32
    %dma_start3A_114 = arith.constant 1 : i32
    %dma_start3A_115 = arith.constant 256 : i32
    %dma_start3A_116 = arith.constant 0 : i32
    %dma_start3A_117 = tpu.memref_slice %arg6[%dma_start3A_113, %dma_start3A_115, %dma_start3A_116] : memref<2x640x64xf32, #tpu.memory_space<vmem>> -> memref<1x128x64xf32, #tpu.memory_space<vmem>>
    %dma_start3A_118 = tpu.memref_squeeze %dma_start3A_117 : memref<1x128x64xf32, #tpu.memory_space<vmem>> -> memref<128x64xf32, #tpu.memory_space<vmem>>
    %dma_start3A_119 = arith.constant 256 : i32
    %dma_start3A_120 = tpu.memref_slice %arg5[%dma_start3A_112, %dma_start3A_119] : memref<2x640xi32, #tpu.memory_space<vmem>> -> memref<1x128xi32, #tpu.memory_space<vmem>>
    %dma_start3A_121 = tpu.memref_squeeze %dma_start3A_120 : memref<1x128xi32, #tpu.memory_space<vmem>> -> memref<128xi32, #tpu.memory_space<vmem>>
    %dma_start3A_122 = arith.constant 0 : i32
    %dma_start3A_123 = arith.constant 0 : i32
    %dma_start3A_124 = tpu.memref_slice %arg2[%dma_start3A_122, %dma_start3A_123] : memref<1000000x64xf32, #tpu.memory_space<hbm>> -> memref<1000000x64xf32, #tpu.memory_space<hbm>>
    %dma_start3A_125 = tpu.memref_slice %arg7[%dma_start3A_114] : memref<2x!tpu.dma_semaphore, #tpu.memory_space<semaphore_mem>> -> memref<1x!tpu.dma_semaphore, #tpu.memory_space<semaphore_mem>>
    %dma_start3A_126 = tpu.memref_squeeze %dma_start3A_125 : memref<1x!tpu.dma_semaphore, #tpu.memory_space<semaphore_mem>> -> memref<!tpu.dma_semaphore, #tpu.memory_space<semaphore_mem>>
    tpu.enqueue_indirect_dma source(%dma_start3A_124 : memref<1000000x64xf32, #tpu.memory_space<hbm>>) target(%dma_start3A_118 : memref<128x64xf32, #tpu.memory_space<vmem>>) offsets(%dma_start3A_121 : memref<128xi32, #tpu.memory_space<vmem>>) semaphore(%dma_start3A_126 : memref<!tpu.dma_semaphore, #tpu.memory_space<semaphore_mem>>)
    %dma_start3A_127 = arith.constant 1 : i32
    %dma_start3A_128 = arith.constant 1 : i32
    %dma_start3A_129 = arith.constant 1 : i32
    %dma_start3A_130 = arith.constant 384 : i32
    %dma_start3A_131 = arith.constant 0 : i32
    %dma_start3A_132 = tpu.memref_slice %arg6[%dma_start3A_128, %dma_start3A_130, %dma_start3A_131] : memref<2x640x64xf32, #tpu.memory_space<vmem>> -> memref<1x128x64xf32, #tpu.memory_space<vmem>>
    %dma_start3A_133 = tpu.memref_squeeze %dma_start3A_132 : memref<1x128x64xf32, #tpu.memory_space<vmem>> -> memref<128x64xf32, #tpu.memory_space<vmem>>
    %dma_start3A_134 = arith.constant 384 : i32
    %dma_start3A_135 = tpu.memref_slice %arg5[%dma_start3A_127, %dma_start3A_134] : memref<2x640xi32, #tpu.memory_space<vmem>> -> memref<1x128xi32, #tpu.memory_space<vmem>>
    %dma_start3A_136 = tpu.memref_squeeze %dma_start3A_135 : memref<1x128xi32, #tpu.memory_space<vmem>> -> memref<128xi32, #tpu.memory_space<vmem>>
    %dma_start3A_137 = arith.constant 0 : i32
    %dma_start3A_138 = arith.constant 0 : i32
    %dma_start3A_139 = tpu.memref_slice %arg2[%dma_start3A_137, %dma_start3A_138] : memref<1000000x64xf32, #tpu.memory_space<hbm>> -> memref<1000000x64xf32, #tpu.memory_space<hbm>>
    %dma_start3A_140 = tpu.memref_slice %arg7[%dma_start3A_129] : memref<2x!tpu.dma_semaphore, #tpu.memory_space<semaphore_mem>> -> memref<1x!tpu.dma_semaphore, #tpu.memory_space<semaphore_mem>>
    %dma_start3A_141 = tpu.memref_squeeze %dma_start3A_140 : memref<1x!tpu.dma_semaphore, #tpu.memory_space<semaphore_mem>> -> memref<!tpu.dma_semaphore, #tpu.memory_space<semaphore_mem>>
    tpu.enqueue_indirect_dma source(%dma_start3A_139 : memref<1000000x64xf32, #tpu.memory_space<hbm>>) target(%dma_start3A_133 : memref<128x64xf32, #tpu.memory_space<vmem>>) offsets(%dma_start3A_136 : memref<128xi32, #tpu.memory_space<vmem>>) semaphore(%dma_start3A_141 : memref<!tpu.dma_semaphore, #tpu.memory_space<semaphore_mem>>)
    %dma_start3A_142 = arith.constant 1 : i32
    %dma_start3A_143 = arith.constant 1 : i32
    %dma_start3A_144 = arith.constant 1 : i32
    %dma_start3A_145 = arith.constant 512 : i32
    %dma_start3A_146 = arith.constant 0 : i32
    %dma_start3A_147 = tpu.memref_slice %arg6[%dma_start3A_143, %dma_start3A_145, %dma_start3A_146] : memref<2x640x64xf32, #tpu.memory_space<vmem>> -> memref<1x128x64xf32, #tpu.memory_space<vmem>>
    %dma_start3A_148 = tpu.memref_squeeze %dma_start3A_147 : memref<1x128x64xf32, #tpu.memory_space<vmem>> -> memref<128x64xf32, #tpu.memory_space<vmem>>
    %dma_start3A_149 = arith.constant 512 : i32
    %dma_start3A_150 = tpu.memref_slice %arg5[%dma_start3A_142, %dma_start3A_149] : memref<2x640xi32, #tpu.memory_space<vmem>> -> memref<1x128xi32, #tpu.memory_space<vmem>>
    %dma_start3A_151 = tpu.memref_squeeze %dma_start3A_150 : memref<1x128xi32, #tpu.memory_space<vmem>> -> memref<128xi32, #tpu.memory_space<vmem>>
    %dma_start3A_152 = arith.constant 0 : i32
    %dma_start3A_153 = arith.constant 0 : i32
    %dma_start3A_154 = tpu.memref_slice %arg2[%dma_start3A_152, %dma_start3A_153] : memref<1000000x64xf32, #tpu.memory_space<hbm>> -> memref<1000000x64xf32, #tpu.memory_space<hbm>>
    %dma_start3A_155 = tpu.memref_slice %arg7[%dma_start3A_144] : memref<2x!tpu.dma_semaphore, #tpu.memory_space<semaphore_mem>> -> memref<1x!tpu.dma_semaphore, #tpu.memory_space<semaphore_mem>>
    %dma_start3A_156 = tpu.memref_squeeze %dma_start3A_155 : memref<1x!tpu.dma_semaphore, #tpu.memory_space<semaphore_mem>> -> memref<!tpu.dma_semaphore, #tpu.memory_space<semaphore_mem>>
    tpu.enqueue_indirect_dma source(%dma_start3A_154 : memref<1000000x64xf32, #tpu.memory_space<hbm>>) target(%dma_start3A_148 : memref<128x64xf32, #tpu.memory_space<vmem>>) offsets(%dma_start3A_151 : memref<128xi32, #tpu.memory_space<vmem>>) semaphore(%dma_start3A_156 : memref<!tpu.dma_semaphore, #tpu.memory_space<semaphore_mem>>)
    %scan3A = arith.constant 0 : i32
    %scan3A_157 = arith.constant 0 : i32
    %scan3A_158 = arith.constant 19 : i32
    %scan3A_159 = arith.addi %scan3A_157, %scan3A_158 : i32
    %scan3A_160 = arith.constant 1 : i32
    scf.for %scan3A_263 = %scan3A_157 to %scan3A_159 step %scan3A_160  : i32 {
      %mul3A_264 = arith.constant 2 : i32
      %mul3A_265 = arith.muli %scan3A_263, %mul3A_264 : i32
      %add3A_266 = arith.constant 0 : i32
      %add3A_267 = arith.addi %mul3A_265, %add3A_266 : i32
      %dma_wait3A_268 = arith.constant 0 : i32
      %dma_wait3A_269 = arith.constant 0 : i32
      %dma_wait3A_270 = arith.constant 0 : i32
      %dma_wait3A_271 = arith.constant 0 : i32
      %dma_wait3A_272 = arith.constant 0 : i32
      %dma_wait3A_273 = tpu.memref_slice %arg6[%dma_wait3A_269, %dma_wait3A_271, %dma_wait3A_272] : memref<2x640x64xf32, #tpu.memory_space<vmem>> -> memref<1x640x64xf32, #tpu.memory_space<vmem>>
      %dma_wait3A_274 = tpu.memref_squeeze %dma_wait3A_273 : memref<1x640x64xf32, #tpu.memory_space<vmem>> -> memref<640x64xf32, #tpu.memory_space<vmem>>
      %dma_wait3A_275 = arith.constant 0 : i32
      %dma_wait3A_276 = tpu.memref_slice %arg5[%dma_wait3A_268, %dma_wait3A_275] : memref<2x640xi32, #tpu.memory_space<vmem>> -> memref<1x640xi32, #tpu.memory_space<vmem>>
      %dma_wait3A_277 = tpu.memref_squeeze %dma_wait3A_276 : memref<1x640xi32, #tpu.memory_space<vmem>> -> memref<640xi32, #tpu.memory_space<vmem>>
      %dma_wait3A_278 = arith.constant 0 : i32
      %dma_wait3A_279 = arith.constant 0 : i32
      %dma_wait3A_280 = tpu.memref_slice %arg2[%dma_wait3A_278, %dma_wait3A_279] : memref<1000000x64xf32, #tpu.memory_space<hbm>> -> memref<1000000x64xf32, #tpu.memory_space<hbm>>
      %dma_wait3A_281 = tpu.memref_slice %arg7[%dma_wait3A_270] : memref<2x!tpu.dma_semaphore, #tpu.memory_space<semaphore_mem>> -> memref<1x!tpu.dma_semaphore, #tpu.memory_space<semaphore_mem>>
      %dma_wait3A_282 = tpu.memref_squeeze %dma_wait3A_281 : memref<1x!tpu.dma_semaphore, #tpu.memory_space<semaphore_mem>> -> memref<!tpu.dma_semaphore, #tpu.memory_space<semaphore_mem>>
      tpu.wait_indirect_dma semaphore(%dma_wait3A_282 : memref<!tpu.dma_semaphore, #tpu.memory_space<semaphore_mem>>) src(%dma_wait3A_280 : memref<1000000x64xf32, #tpu.memory_space<hbm>>) dst(%dma_wait3A_274 : memref<640x64xf32, #tpu.memory_space<vmem>>)
      %mul3A_283 = arith.constant 640 : i32
      %mul3A_284 = arith.muli %add3A_267, %mul3A_283 : i32
      %add3A_285 = arith.addi %mul3A_2, %mul3A_284 : i32
      %dma_start3A_286 = arith.constant 0 : i32
      %dma_start3A_287 = arith.constant 0 : i32
      %dma_start3A_288 = arith.constant 0 : i32
      %dma_start3A_289 = arith.constant 0 : i32
      %dma_start3A_290 = tpu.memref_slice %arg6[%dma_start3A_286, %dma_start3A_288, %dma_start3A_289] : memref<2x640x64xf32, #tpu.memory_space<vmem>> -> memref<1x640x64xf32, #tpu.memory_space<vmem>>
      %dma_start3A_291 = tpu.memref_squeeze %dma_start3A_290 : memref<1x640x64xf32, #tpu.memory_space<vmem>> -> memref<640x64xf32, #tpu.memory_space<vmem>>
      %dma_start3A_292 = arith.constant 0 : i32
      %dma_start3A_293 = tpu.memref_slice %arg4[%add3A_285, %dma_start3A_292] : memref<819200x64xf32, #tpu.memory_space<hbm>> -> memref<640x64xf32, #tpu.memory_space<hbm>>
      %dma_start3A_294 = tpu.memref_slice %arg8[%dma_start3A_287] : memref<2x!tpu.dma_semaphore, #tpu.memory_space<semaphore_mem>> -> memref<1x!tpu.dma_semaphore, #tpu.memory_space<semaphore_mem>>
      %dma_start3A_295 = tpu.memref_squeeze %dma_start3A_294 : memref<1x!tpu.dma_semaphore, #tpu.memory_space<semaphore_mem>> -> memref<!tpu.dma_semaphore, #tpu.memory_space<semaphore_mem>>
      %dma_start3A_296 = arith.constant 0 : i32
      %dma_start3A_297 = tpu.memref_slice %arg4[%add3A_285, %dma_start3A_296] : memref<819200x64xf32, #tpu.memory_space<hbm>> -> memref<640x64xf32, #tpu.memory_space<hbm>>
      %dma_start3A_298 = arith.constant 0 : i32
      %dma_start3A_299 = arith.constant 0 : i32
      %dma_start3A_300 = tpu.memref_slice %arg6[%dma_start3A_286, %dma_start3A_298, %dma_start3A_299] : memref<2x640x64xf32, #tpu.memory_space<vmem>> -> memref<1x640x64xf32, #tpu.memory_space<vmem>>
      %dma_start3A_301 = tpu.memref_squeeze %dma_start3A_300 : memref<1x640x64xf32, #tpu.memory_space<vmem>> -> memref<640x64xf32, #tpu.memory_space<vmem>>
      tpu.enqueue_dma source(%dma_start3A_301 : memref<640x64xf32, #tpu.memory_space<vmem>>) target(%dma_start3A_297 : memref<640x64xf32, #tpu.memory_space<hbm>>) target_semaphore(%dma_start3A_295 : memref<!tpu.dma_semaphore, #tpu.memory_space<semaphore_mem>>)
      %add3A_302 = arith.constant 2 : i32
      %add3A_303 = arith.addi %add3A_267, %add3A_302 : i32
      %mul3A_304 = arith.constant 640 : i32
      %mul3A_305 = arith.muli %add3A_303, %mul3A_304 : i32
      %add3A_306 = arith.addi %mul3A_2, %mul3A_305 : i32
      %run_scoped3A_307 = arith.constant 0 : i32
      "tpu.region"() ({
        %run_scoped3A_540 = tpu.sem_alloc : memref<!tpu.dma_semaphore, #tpu.memory_space<semaphore_mem>>
        %dma_start3A_541 = arith.constant 0 : i32
        %dma_start3A_542 = tpu.memref_slice %arg5[%run_scoped3A_307, %dma_start3A_541] : memref<2x640xi32, #tpu.memory_space<vmem>> -> memref<1x640xi32, #tpu.memory_space<vmem>>
        %dma_start3A_543 = tpu.memref_squeeze %dma_start3A_542 : memref<1x640xi32, #tpu.memory_space<vmem>> -> memref<640xi32, #tpu.memory_space<vmem>>
        %dma_start3A_544 = tpu.memref_slice %arg3[%add3A_306] : memref<819200xi32, #tpu.memory_space<hbm>> -> memref<640xi32, #tpu.memory_space<hbm>>
        %dma_start3A_545 = arith.constant 0 : i32
        %dma_start3A_546 = tpu.memref_slice %arg5[%run_scoped3A_307, %dma_start3A_545] : memref<2x640xi32, #tpu.memory_space<vmem>> -> memref<1x640xi32, #tpu.memory_space<vmem>>
        %dma_start3A_547 = tpu.memref_squeeze %dma_start3A_546 : memref<1x640xi32, #tpu.memory_space<vmem>> -> memref<640xi32, #tpu.memory_space<vmem>>
        %dma_start3A_548 = tpu.memref_slice %arg3[%add3A_306] : memref<819200xi32, #tpu.memory_space<hbm>> -> memref<640xi32, #tpu.memory_space<hbm>>
        tpu.enqueue_dma source(%dma_start3A_548 : memref<640xi32, #tpu.memory_space<hbm>>) target(%dma_start3A_547 : memref<640xi32, #tpu.memory_space<vmem>>) target_semaphore(%run_scoped3A_540 : memref<!tpu.dma_semaphore, #tpu.memory_space<semaphore_mem>>)
        %dma_wait3A_549 = arith.constant 0 : i32
        %dma_wait3A_550 = tpu.memref_slice %arg5[%run_scoped3A_307, %dma_wait3A_549] : memref<2x640xi32, #tpu.memory_space<vmem>> -> memref<1x640xi32, #tpu.memory_space<vmem>>
        %dma_wait3A_551 = tpu.memref_squeeze %dma_wait3A_550 : memref<1x640xi32, #tpu.memory_space<vmem>> -> memref<640xi32, #tpu.memory_space<vmem>>
        %dma_wait3A_552 = tpu.memref_slice %arg3[%add3A_306] : memref<819200xi32, #tpu.memory_space<hbm>> -> memref<640xi32, #tpu.memory_space<hbm>>
        %dma_wait3A_553 = arith.constant 0 : i32
        %dma_wait3A_554 = tpu.memref_slice %arg5[%run_scoped3A_307, %dma_wait3A_553] : memref<2x640xi32, #tpu.memory_space<vmem>> -> memref<1x640xi32, #tpu.memory_space<vmem>>
        %dma_wait3A_555 = tpu.memref_squeeze %dma_wait3A_554 : memref<1x640xi32, #tpu.memory_space<vmem>> -> memref<640xi32, #tpu.memory_space<vmem>>
        %dma_wait3A_556 = tpu.memref_slice %arg3[%add3A_306] : memref<819200xi32, #tpu.memory_space<hbm>> -> memref<640xi32, #tpu.memory_space<hbm>>
        tpu.wait_dma2 semaphore(%run_scoped3A_540 : memref<!tpu.dma_semaphore, #tpu.memory_space<semaphore_mem>>) src(%dma_wait3A_556 : memref<640xi32, #tpu.memory_space<hbm>>) dst(%dma_wait3A_555 : memref<640xi32, #tpu.memory_space<vmem>>)
        tpu.yield
      }) : () -> ()
      %mul3A_308 = arith.constant 640 : i32
      %mul3A_309 = arith.muli %add3A_267, %mul3A_308 : i32
      %add3A_310 = arith.addi %mul3A_2, %mul3A_309 : i32
      %dma_wait3A_311 = arith.constant 0 : i32
      %dma_wait3A_312 = arith.constant 0 : i32
      %dma_wait3A_313 = arith.constant 0 : i32
      %dma_wait3A_314 = arith.constant 0 : i32
      %dma_wait3A_315 = tpu.memref_slice %arg6[%dma_wait3A_311, %dma_wait3A_313, %dma_wait3A_314] : memref<2x640x64xf32, #tpu.memory_space<vmem>> -> memref<1x640x64xf32, #tpu.memory_space<vmem>>
      %dma_wait3A_316 = tpu.memref_squeeze %dma_wait3A_315 : memref<1x640x64xf32, #tpu.memory_space<vmem>> -> memref<640x64xf32, #tpu.memory_space<vmem>>
      %dma_wait3A_317 = arith.constant 0 : i32
      %dma_wait3A_318 = tpu.memref_slice %arg4[%add3A_310, %dma_wait3A_317] : memref<819200x64xf32, #tpu.memory_space<hbm>> -> memref<640x64xf32, #tpu.memory_space<hbm>>
      %dma_wait3A_319 = tpu.memref_slice %arg8[%dma_wait3A_312] : memref<2x!tpu.dma_semaphore, #tpu.memory_space<semaphore_mem>> -> memref<1x!tpu.dma_semaphore, #tpu.memory_space<semaphore_mem>>
      %dma_wait3A_320 = tpu.memref_squeeze %dma_wait3A_319 : memref<1x!tpu.dma_semaphore, #tpu.memory_space<semaphore_mem>> -> memref<!tpu.dma_semaphore, #tpu.memory_space<semaphore_mem>>
      %dma_wait3A_321 = arith.constant 0 : i32
      %dma_wait3A_322 = tpu.memref_slice %arg4[%add3A_310, %dma_wait3A_321] : memref<819200x64xf32, #tpu.memory_space<hbm>> -> memref<640x64xf32, #tpu.memory_space<hbm>>
      %dma_wait3A_323 = arith.constant 0 : i32
      %dma_wait3A_324 = arith.constant 0 : i32
      %dma_wait3A_325 = tpu.memref_slice %arg6[%dma_wait3A_311, %dma_wait3A_323, %dma_wait3A_324] : memref<2x640x64xf32, #tpu.memory_space<vmem>> -> memref<1x640x64xf32, #tpu.memory_space<vmem>>
      %dma_wait3A_326 = tpu.memref_squeeze %dma_wait3A_325 : memref<1x640x64xf32, #tpu.memory_space<vmem>> -> memref<640x64xf32, #tpu.memory_space<vmem>>
      tpu.wait_dma2 semaphore(%dma_wait3A_320 : memref<!tpu.dma_semaphore, #tpu.memory_space<semaphore_mem>>) src(%dma_wait3A_326 : memref<640x64xf32, #tpu.memory_space<vmem>>) dst(%dma_wait3A_322 : memref<640x64xf32, #tpu.memory_space<hbm>>)
      %dma_start3A_327 = arith.constant 0 : i32
      %dma_start3A_328 = arith.constant 0 : i32
      %dma_start3A_329 = arith.constant 0 : i32
      %dma_start3A_330 = arith.constant 0 : i32
      %dma_start3A_331 = arith.constant 0 : i32
      %dma_start3A_332 = tpu.memref_slice %arg6[%dma_start3A_328, %dma_start3A_330, %dma_start3A_331] : memref<2x640x64xf32, #tpu.memory_space<vmem>> -> memref<1x128x64xf32, #tpu.memory_space<vmem>>
      %dma_start3A_333 = tpu.memref_squeeze %dma_start3A_332 : memref<1x128x64xf32, #tpu.memory_space<vmem>> -> memref<128x64xf32, #tpu.memory_space<vmem>>
      %dma_start3A_334 = arith.constant 0 : i32
      %dma_start3A_335 = tpu.memref_slice %arg5[%dma_start3A_327, %dma_start3A_334] : memref<2x640xi32, #tpu.memory_space<vmem>> -> memref<1x128xi32, #tpu.memory_space<vmem>>
      %dma_start3A_336 = tpu.memref_squeeze %dma_start3A_335 : memref<1x128xi32, #tpu.memory_space<vmem>> -> memref<128xi32, #tpu.memory_space<vmem>>
      %dma_start3A_337 = arith.constant 0 : i32
      %dma_start3A_338 = arith.constant 0 : i32
      %dma_start3A_339 = tpu.memref_slice %arg2[%dma_start3A_337, %dma_start3A_338] : memref<1000000x64xf32, #tpu.memory_space<hbm>> -> memref<1000000x64xf32, #tpu.memory_space<hbm>>
      %dma_start3A_340 = tpu.memref_slice %arg7[%dma_start3A_329] : memref<2x!tpu.dma_semaphore, #tpu.memory_space<semaphore_mem>> -> memref<1x!tpu.dma_semaphore, #tpu.memory_space<semaphore_mem>>
      %dma_start3A_341 = tpu.memref_squeeze %dma_start3A_340 : memref<1x!tpu.dma_semaphore, #tpu.memory_space<semaphore_mem>> -> memref<!tpu.dma_semaphore, #tpu.memory_space<semaphore_mem>>
      tpu.enqueue_indirect_dma source(%dma_start3A_339 : memref<1000000x64xf32, #tpu.memory_space<hbm>>) target(%dma_start3A_333 : memref<128x64xf32, #tpu.memory_space<vmem>>) offsets(%dma_start3A_336 : memref<128xi32, #tpu.memory_space<vmem>>) semaphore(%dma_start3A_341 : memref<!tpu.dma_semaphore, #tpu.memory_space<semaphore_mem>>)
      %dma_start3A_342 = arith.constant 0 : i32
      %dma_start3A_343 = arith.constant 0 : i32
      %dma_start3A_344 = arith.constant 0 : i32
      %dma_start3A_345 = arith.constant 128 : i32
      %dma_start3A_346 = arith.constant 0 : i32
      %dma_start3A_347 = tpu.memref_slice %arg6[%dma_start3A_343, %dma_start3A_345, %dma_start3A_346] : memref<2x640x64xf32, #tpu.memory_space<vmem>> -> memref<1x128x64xf32, #tpu.memory_space<vmem>>
      %dma_start3A_348 = tpu.memref_squeeze %dma_start3A_347 : memref<1x128x64xf32, #tpu.memory_space<vmem>> -> memref<128x64xf32, #tpu.memory_space<vmem>>
      %dma_start3A_349 = arith.constant 128 : i32
      %dma_start3A_350 = tpu.memref_slice %arg5[%dma_start3A_342, %dma_start3A_349] : memref<2x640xi32, #tpu.memory_space<vmem>> -> memref<1x128xi32, #tpu.memory_space<vmem>>
      %dma_start3A_351 = tpu.memref_squeeze %dma_start3A_350 : memref<1x128xi32, #tpu.memory_space<vmem>> -> memref<128xi32, #tpu.memory_space<vmem>>
      %dma_start3A_352 = arith.constant 0 : i32
      %dma_start3A_353 = arith.constant 0 : i32
      %dma_start3A_354 = tpu.memref_slice %arg2[%dma_start3A_352, %dma_start3A_353] : memref<1000000x64xf32, #tpu.memory_space<hbm>> -> memref<1000000x64xf32, #tpu.memory_space<hbm>>
      %dma_start3A_355 = tpu.memref_slice %arg7[%dma_start3A_344] : memref<2x!tpu.dma_semaphore, #tpu.memory_space<semaphore_mem>> -> memref<1x!tpu.dma_semaphore, #tpu.memory_space<semaphore_mem>>
      %dma_start3A_356 = tpu.memref_squeeze %dma_start3A_355 : memref<1x!tpu.dma_semaphore, #tpu.memory_space<semaphore_mem>> -> memref<!tpu.dma_semaphore, #tpu.memory_space<semaphore_mem>>
      tpu.enqueue_indirect_dma source(%dma_start3A_354 : memref<1000000x64xf32, #tpu.memory_space<hbm>>) target(%dma_start3A_348 : memref<128x64xf32, #tpu.memory_space<vmem>>) offsets(%dma_start3A_351 : memref<128xi32, #tpu.memory_space<vmem>>) semaphore(%dma_start3A_356 : memref<!tpu.dma_semaphore, #tpu.memory_space<semaphore_mem>>)
      %dma_start3A_357 = arith.constant 0 : i32
      %dma_start3A_358 = arith.constant 0 : i32
      %dma_start3A_359 = arith.constant 0 : i32
      %dma_start3A_360 = arith.constant 256 : i32
      %dma_start3A_361 = arith.constant 0 : i32
      %dma_start3A_362 = tpu.memref_slice %arg6[%dma_start3A_358, %dma_start3A_360, %dma_start3A_361] : memref<2x640x64xf32, #tpu.memory_space<vmem>> -> memref<1x128x64xf32, #tpu.memory_space<vmem>>
      %dma_start3A_363 = tpu.memref_squeeze %dma_start3A_362 : memref<1x128x64xf32, #tpu.memory_space<vmem>> -> memref<128x64xf32, #tpu.memory_space<vmem>>
      %dma_start3A_364 = arith.constant 256 : i32
      %dma_start3A_365 = tpu.memref_slice %arg5[%dma_start3A_357, %dma_start3A_364] : memref<2x640xi32, #tpu.memory_space<vmem>> -> memref<1x128xi32, #tpu.memory_space<vmem>>
      %dma_start3A_366 = tpu.memref_squeeze %dma_start3A_365 : memref<1x128xi32, #tpu.memory_space<vmem>> -> memref<128xi32, #tpu.memory_space<vmem>>
      %dma_start3A_367 = arith.constant 0 : i32
      %dma_start3A_368 = arith.constant 0 : i32
      %dma_start3A_369 = tpu.memref_slice %arg2[%dma_start3A_367, %dma_start3A_368] : memref<1000000x64xf32, #tpu.memory_space<hbm>> -> memref<1000000x64xf32, #tpu.memory_space<hbm>>
      %dma_start3A_370 = tpu.memref_slice %arg7[%dma_start3A_359] : memref<2x!tpu.dma_semaphore, #tpu.memory_space<semaphore_mem>> -> memref<1x!tpu.dma_semaphore, #tpu.memory_space<semaphore_mem>>
      %dma_start3A_371 = tpu.memref_squeeze %dma_start3A_370 : memref<1x!tpu.dma_semaphore, #tpu.memory_space<semaphore_mem>> -> memref<!tpu.dma_semaphore, #tpu.memory_space<semaphore_mem>>
      tpu.enqueue_indirect_dma source(%dma_start3A_369 : memref<1000000x64xf32, #tpu.memory_space<hbm>>) target(%dma_start3A_363 : memref<128x64xf32, #tpu.memory_space<vmem>>) offsets(%dma_start3A_366 : memref<128xi32, #tpu.memory_space<vmem>>) semaphore(%dma_start3A_371 : memref<!tpu.dma_semaphore, #tpu.memory_space<semaphore_mem>>)
      %dma_start3A_372 = arith.constant 0 : i32
      %dma_start3A_373 = arith.constant 0 : i32
      %dma_start3A_374 = arith.constant 0 : i32
      %dma_start3A_375 = arith.constant 384 : i32
      %dma_start3A_376 = arith.constant 0 : i32
      %dma_start3A_377 = tpu.memref_slice %arg6[%dma_start3A_373, %dma_start3A_375, %dma_start3A_376] : memref<2x640x64xf32, #tpu.memory_space<vmem>> -> memref<1x128x64xf32, #tpu.memory_space<vmem>>
      %dma_start3A_378 = tpu.memref_squeeze %dma_start3A_377 : memref<1x128x64xf32, #tpu.memory_space<vmem>> -> memref<128x64xf32, #tpu.memory_space<vmem>>
      %dma_start3A_379 = arith.constant 384 : i32
      %dma_start3A_380 = tpu.memref_slice %arg5[%dma_start3A_372, %dma_start3A_379] : memref<2x640xi32, #tpu.memory_space<vmem>> -> memref<1x128xi32, #tpu.memory_space<vmem>>
      %dma_start3A_381 = tpu.memref_squeeze %dma_start3A_380 : memref<1x128xi32, #tpu.memory_space<vmem>> -> memref<128xi32, #tpu.memory_space<vmem>>
      %dma_start3A_382 = arith.constant 0 : i32
      %dma_start3A_383 = arith.constant 0 : i32
      %dma_start3A_384 = tpu.memref_slice %arg2[%dma_start3A_382, %dma_start3A_383] : memref<1000000x64xf32, #tpu.memory_space<hbm>> -> memref<1000000x64xf32, #tpu.memory_space<hbm>>
      %dma_start3A_385 = tpu.memref_slice %arg7[%dma_start3A_374] : memref<2x!tpu.dma_semaphore, #tpu.memory_space<semaphore_mem>> -> memref<1x!tpu.dma_semaphore, #tpu.memory_space<semaphore_mem>>
      %dma_start3A_386 = tpu.memref_squeeze %dma_start3A_385 : memref<1x!tpu.dma_semaphore, #tpu.memory_space<semaphore_mem>> -> memref<!tpu.dma_semaphore, #tpu.memory_space<semaphore_mem>>
      tpu.enqueue_indirect_dma source(%dma_start3A_384 : memref<1000000x64xf32, #tpu.memory_space<hbm>>) target(%dma_start3A_378 : memref<128x64xf32, #tpu.memory_space<vmem>>) offsets(%dma_start3A_381 : memref<128xi32, #tpu.memory_space<vmem>>) semaphore(%dma_start3A_386 : memref<!tpu.dma_semaphore, #tpu.memory_space<semaphore_mem>>)
      %dma_start3A_387 = arith.constant 0 : i32
      %dma_start3A_388 = arith.constant 0 : i32
      %dma_start3A_389 = arith.constant 0 : i32
      %dma_start3A_390 = arith.constant 512 : i32
      %dma_start3A_391 = arith.constant 0 : i32
      %dma_start3A_392 = tpu.memref_slice %arg6[%dma_start3A_388, %dma_start3A_390, %dma_start3A_391] : memref<2x640x64xf32, #tpu.memory_space<vmem>> -> memref<1x128x64xf32, #tpu.memory_space<vmem>>
      %dma_start3A_393 = tpu.memref_squeeze %dma_start3A_392 : memref<1x128x64xf32, #tpu.memory_space<vmem>> -> memref<128x64xf32, #tpu.memory_space<vmem>>
      %dma_start3A_394 = arith.constant 512 : i32
      %dma_start3A_395 = tpu.memref_slice %arg5[%dma_start3A_387, %dma_start3A_394] : memref<2x640xi32, #tpu.memory_space<vmem>> -> memref<1x128xi32, #tpu.memory_space<vmem>>
      %dma_start3A_396 = tpu.memref_squeeze %dma_start3A_395 : memref<1x128xi32, #tpu.memory_space<vmem>> -> memref<128xi32, #tpu.memory_space<vmem>>
      %dma_start3A_397 = arith.constant 0 : i32
      %dma_start3A_398 = arith.constant 0 : i32
      %dma_start3A_399 = tpu.memref_slice %arg2[%dma_start3A_397, %dma_start3A_398] : memref<1000000x64xf32, #tpu.memory_space<hbm>> -> memref<1000000x64xf32, #tpu.memory_space<hbm>>
      %dma_start3A_400 = tpu.memref_slice %arg7[%dma_start3A_389] : memref<2x!tpu.dma_semaphore, #tpu.memory_space<semaphore_mem>> -> memref<1x!tpu.dma_semaphore, #tpu.memory_space<semaphore_mem>>
      %dma_start3A_401 = tpu.memref_squeeze %dma_start3A_400 : memref<1x!tpu.dma_semaphore, #tpu.memory_space<semaphore_mem>> -> memref<!tpu.dma_semaphore, #tpu.memory_space<semaphore_mem>>
      tpu.enqueue_indirect_dma source(%dma_start3A_399 : memref<1000000x64xf32, #tpu.memory_space<hbm>>) target(%dma_start3A_393 : memref<128x64xf32, #tpu.memory_space<vmem>>) offsets(%dma_start3A_396 : memref<128xi32, #tpu.memory_space<vmem>>) semaphore(%dma_start3A_401 : memref<!tpu.dma_semaphore, #tpu.memory_space<semaphore_mem>>)
      %mul3A_402 = arith.constant 2 : i32
      %mul3A_403 = arith.muli %scan3A_263, %mul3A_402 : i32
      %add3A_404 = arith.constant 1 : i32
      %add3A_405 = arith.addi %mul3A_403, %add3A_404 : i32
      %dma_wait3A_406 = arith.constant 1 : i32
      %dma_wait3A_407 = arith.constant 1 : i32
      %dma_wait3A_408 = arith.constant 1 : i32
      %dma_wait3A_409 = arith.constant 0 : i32
      %dma_wait3A_410 = arith.constant 0 : i32
      %dma_wait3A_411 = tpu.memref_slice %arg6[%dma_wait3A_407, %dma_wait3A_409, %dma_wait3A_410] : memref<2x640x64xf32, #tpu.memory_space<vmem>> -> memref<1x640x64xf32, #tpu.memory_space<vmem>>
      %dma_wait3A_412 = tpu.memref_squeeze %dma_wait3A_411 : memref<1x640x64xf32, #tpu.memory_space<vmem>> -> memref<640x64xf32, #tpu.memory_space<vmem>>
      %dma_wait3A_413 = arith.constant 0 : i32
      %dma_wait3A_414 = tpu.memref_slice %arg5[%dma_wait3A_406, %dma_wait3A_413] : memref<2x640xi32, #tpu.memory_space<vmem>> -> memref<1x640xi32, #tpu.memory_space<vmem>>
      %dma_wait3A_415 = tpu.memref_squeeze %dma_wait3A_414 : memref<1x640xi32, #tpu.memory_space<vmem>> -> memref<640xi32, #tpu.memory_space<vmem>>
      %dma_wait3A_416 = arith.constant 0 : i32
      %dma_wait3A_417 = arith.constant 0 : i32
      %dma_wait3A_418 = tpu.memref_slice %arg2[%dma_wait3A_416, %dma_wait3A_417] : memref<1000000x64xf32, #tpu.memory_space<hbm>> -> memref<1000000x64xf32, #tpu.memory_space<hbm>>
      %dma_wait3A_419 = tpu.memref_slice %arg7[%dma_wait3A_408] : memref<2x!tpu.dma_semaphore, #tpu.memory_space<semaphore_mem>> -> memref<1x!tpu.dma_semaphore, #tpu.memory_space<semaphore_mem>>
      %dma_wait3A_420 = tpu.memref_squeeze %dma_wait3A_419 : memref<1x!tpu.dma_semaphore, #tpu.memory_space<semaphore_mem>> -> memref<!tpu.dma_semaphore, #tpu.memory_space<semaphore_mem>>
      tpu.wait_indirect_dma semaphore(%dma_wait3A_420 : memref<!tpu.dma_semaphore, #tpu.memory_space<semaphore_mem>>) src(%dma_wait3A_418 : memref<1000000x64xf32, #tpu.memory_space<hbm>>) dst(%dma_wait3A_412 : memref<640x64xf32, #tpu.memory_space<vmem>>)
      %mul3A_421 = arith.constant 640 : i32
      %mul3A_422 = arith.muli %add3A_405, %mul3A_421 : i32
      %add3A_423 = arith.addi %mul3A_2, %mul3A_422 : i32
      %dma_start3A_424 = arith.constant 1 : i32
      %dma_start3A_425 = arith.constant 1 : i32
      %dma_start3A_426 = arith.constant 0 : i32
      %dma_start3A_427 = arith.constant 0 : i32
      %dma_start3A_428 = tpu.memref_slice %arg6[%dma_start3A_424, %dma_start3A_426, %dma_start3A_427] : memref<2x640x64xf32, #tpu.memory_space<vmem>> -> memref<1x640x64xf32, #tpu.memory_space<vmem>>
      %dma_start3A_429 = tpu.memref_squeeze %dma_start3A_428 : memref<1x640x64xf32, #tpu.memory_space<vmem>> -> memref<640x64xf32, #tpu.memory_space<vmem>>
      %dma_start3A_430 = arith.constant 0 : i32
      %dma_start3A_431 = tpu.memref_slice %arg4[%add3A_423, %dma_start3A_430] : memref<819200x64xf32, #tpu.memory_space<hbm>> -> memref<640x64xf32, #tpu.memory_space<hbm>>
      %dma_start3A_432 = tpu.memref_slice %arg8[%dma_start3A_425] : memref<2x!tpu.dma_semaphore, #tpu.memory_space<semaphore_mem>> -> memref<1x!tpu.dma_semaphore, #tpu.memory_space<semaphore_mem>>
      %dma_start3A_433 = tpu.memref_squeeze %dma_start3A_432 : memref<1x!tpu.dma_semaphore, #tpu.memory_space<semaphore_mem>> -> memref<!tpu.dma_semaphore, #tpu.memory_space<semaphore_mem>>
      %dma_start3A_434 = arith.constant 0 : i32
      %dma_start3A_435 = tpu.memref_slice %arg4[%add3A_423, %dma_start3A_434] : memref<819200x64xf32, #tpu.memory_space<hbm>> -> memref<640x64xf32, #tpu.memory_space<hbm>>
      %dma_start3A_436 = arith.constant 0 : i32
      %dma_start3A_437 = arith.constant 0 : i32
      %dma_start3A_438 = tpu.memref_slice %arg6[%dma_start3A_424, %dma_start3A_436, %dma_start3A_437] : memref<2x640x64xf32, #tpu.memory_space<vmem>> -> memref<1x640x64xf32, #tpu.memory_space<vmem>>
      %dma_start3A_439 = tpu.memref_squeeze %dma_start3A_438 : memref<1x640x64xf32, #tpu.memory_space<vmem>> -> memref<640x64xf32, #tpu.memory_space<vmem>>
      tpu.enqueue_dma source(%dma_start3A_439 : memref<640x64xf32, #tpu.memory_space<vmem>>) target(%dma_start3A_435 : memref<640x64xf32, #tpu.memory_space<hbm>>) target_semaphore(%dma_start3A_433 : memref<!tpu.dma_semaphore, #tpu.memory_space<semaphore_mem>>)
      %add3A_440 = arith.constant 2 : i32
      %add3A_441 = arith.addi %add3A_405, %add3A_440 : i32
      %mul3A_442 = arith.constant 640 : i32
      %mul3A_443 = arith.muli %add3A_441, %mul3A_442 : i32
      %add3A_444 = arith.addi %mul3A_2, %mul3A_443 : i32
      %run_scoped3A_445 = arith.constant 1 : i32
      "tpu.region"() ({
        %run_scoped3A_540 = tpu.sem_alloc : memref<!tpu.dma_semaphore, #tpu.memory_space<semaphore_mem>>
        %dma_start3A_541 = arith.constant 0 : i32
        %dma_start3A_542 = tpu.memref_slice %arg5[%run_scoped3A_445, %dma_start3A_541] : memref<2x640xi32, #tpu.memory_space<vmem>> -> memref<1x640xi32, #tpu.memory_space<vmem>>
        %dma_start3A_543 = tpu.memref_squeeze %dma_start3A_542 : memref<1x640xi32, #tpu.memory_space<vmem>> -> memref<640xi32, #tpu.memory_space<vmem>>
        %dma_start3A_544 = tpu.memref_slice %arg3[%add3A_444] : memref<819200xi32, #tpu.memory_space<hbm>> -> memref<640xi32, #tpu.memory_space<hbm>>
        %dma_start3A_545 = arith.constant 0 : i32
        %dma_start3A_546 = tpu.memref_slice %arg5[%run_scoped3A_445, %dma_start3A_545] : memref<2x640xi32, #tpu.memory_space<vmem>> -> memref<1x640xi32, #tpu.memory_space<vmem>>
        %dma_start3A_547 = tpu.memref_squeeze %dma_start3A_546 : memref<1x640xi32, #tpu.memory_space<vmem>> -> memref<640xi32, #tpu.memory_space<vmem>>
        %dma_start3A_548 = tpu.memref_slice %arg3[%add3A_444] : memref<819200xi32, #tpu.memory_space<hbm>> -> memref<640xi32, #tpu.memory_space<hbm>>
        tpu.enqueue_dma source(%dma_start3A_548 : memref<640xi32, #tpu.memory_space<hbm>>) target(%dma_start3A_547 : memref<640xi32, #tpu.memory_space<vmem>>) target_semaphore(%run_scoped3A_540 : memref<!tpu.dma_semaphore, #tpu.memory_space<semaphore_mem>>)
        %dma_wait3A_549 = arith.constant 0 : i32
        %dma_wait3A_550 = tpu.memref_slice %arg5[%run_scoped3A_445, %dma_wait3A_549] : memref<2x640xi32, #tpu.memory_space<vmem>> -> memref<1x640xi32, #tpu.memory_space<vmem>>
        %dma_wait3A_551 = tpu.memref_squeeze %dma_wait3A_550 : memref<1x640xi32, #tpu.memory_space<vmem>> -> memref<640xi32, #tpu.memory_space<vmem>>
        %dma_wait3A_552 = tpu.memref_slice %arg3[%add3A_444] : memref<819200xi32, #tpu.memory_space<hbm>> -> memref<640xi32, #tpu.memory_space<hbm>>
        %dma_wait3A_553 = arith.constant 0 : i32
        %dma_wait3A_554 = tpu.memref_slice %arg5[%run_scoped3A_445, %dma_wait3A_553] : memref<2x640xi32, #tpu.memory_space<vmem>> -> memref<1x640xi32, #tpu.memory_space<vmem>>
        %dma_wait3A_555 = tpu.memref_squeeze %dma_wait3A_554 : memref<1x640xi32, #tpu.memory_space<vmem>> -> memref<640xi32, #tpu.memory_space<vmem>>
        %dma_wait3A_556 = tpu.memref_slice %arg3[%add3A_444] : memref<819200xi32, #tpu.memory_space<hbm>> -> memref<640xi32, #tpu.memory_space<hbm>>
        tpu.wait_dma2 semaphore(%run_scoped3A_540 : memref<!tpu.dma_semaphore, #tpu.memory_space<semaphore_mem>>) src(%dma_wait3A_556 : memref<640xi32, #tpu.memory_space<hbm>>) dst(%dma_wait3A_555 : memref<640xi32, #tpu.memory_space<vmem>>)
        tpu.yield
      }) : () -> ()
      %mul3A_446 = arith.constant 640 : i32
      %mul3A_447 = arith.muli %add3A_405, %mul3A_446 : i32
      %add3A_448 = arith.addi %mul3A_2, %mul3A_447 : i32
      %dma_wait3A_449 = arith.constant 1 : i32
      %dma_wait3A_450 = arith.constant 1 : i32
      %dma_wait3A_451 = arith.constant 0 : i32
      %dma_wait3A_452 = arith.constant 0 : i32
      %dma_wait3A_453 = tpu.memref_slice %arg6[%dma_wait3A_449, %dma_wait3A_451, %dma_wait3A_452] : memref<2x640x64xf32, #tpu.memory_space<vmem>> -> memref<1x640x64xf32, #tpu.memory_space<vmem>>
      %dma_wait3A_454 = tpu.memref_squeeze %dma_wait3A_453 : memref<1x640x64xf32, #tpu.memory_space<vmem>> -> memref<640x64xf32, #tpu.memory_space<vmem>>
      %dma_wait3A_455 = arith.constant 0 : i32
      %dma_wait3A_456 = tpu.memref_slice %arg4[%add3A_448, %dma_wait3A_455] : memref<819200x64xf32, #tpu.memory_space<hbm>> -> memref<640x64xf32, #tpu.memory_space<hbm>>
      %dma_wait3A_457 = tpu.memref_slice %arg8[%dma_wait3A_450] : memref<2x!tpu.dma_semaphore, #tpu.memory_space<semaphore_mem>> -> memref<1x!tpu.dma_semaphore, #tpu.memory_space<semaphore_mem>>
      %dma_wait3A_458 = tpu.memref_squeeze %dma_wait3A_457 : memref<1x!tpu.dma_semaphore, #tpu.memory_space<semaphore_mem>> -> memref<!tpu.dma_semaphore, #tpu.memory_space<semaphore_mem>>
      %dma_wait3A_459 = arith.constant 0 : i32
      %dma_wait3A_460 = tpu.memref_slice %arg4[%add3A_448, %dma_wait3A_459] : memref<819200x64xf32, #tpu.memory_space<hbm>> -> memref<640x64xf32, #tpu.memory_space<hbm>>
      %dma_wait3A_461 = arith.constant 0 : i32
      %dma_wait3A_462 = arith.constant 0 : i32
      %dma_wait3A_463 = tpu.memref_slice %arg6[%dma_wait3A_449, %dma_wait3A_461, %dma_wait3A_462] : memref<2x640x64xf32, #tpu.memory_space<vmem>> -> memref<1x640x64xf32, #tpu.memory_space<vmem>>
      %dma_wait3A_464 = tpu.memref_squeeze %dma_wait3A_463 : memref<1x640x64xf32, #tpu.memory_space<vmem>> -> memref<640x64xf32, #tpu.memory_space<vmem>>
      tpu.wait_dma2 semaphore(%dma_wait3A_458 : memref<!tpu.dma_semaphore, #tpu.memory_space<semaphore_mem>>) src(%dma_wait3A_464 : memref<640x64xf32, #tpu.memory_space<vmem>>) dst(%dma_wait3A_460 : memref<640x64xf32, #tpu.memory_space<hbm>>)
      %dma_start3A_465 = arith.constant 1 : i32
      %dma_start3A_466 = arith.constant 1 : i32
      %dma_start3A_467 = arith.constant 1 : i32
      %dma_start3A_468 = arith.constant 0 : i32
      %dma_start3A_469 = arith.constant 0 : i32
      %dma_start3A_470 = tpu.memref_slice %arg6[%dma_start3A_466, %dma_start3A_468, %dma_start3A_469] : memref<2x640x64xf32, #tpu.memory_space<vmem>> -> memref<1x128x64xf32, #tpu.memory_space<vmem>>
      %dma_start3A_471 = tpu.memref_squeeze %dma_start3A_470 : memref<1x128x64xf32, #tpu.memory_space<vmem>> -> memref<128x64xf32, #tpu.memory_space<vmem>>
      %dma_start3A_472 = arith.constant 0 : i32
      %dma_start3A_473 = tpu.memref_slice %arg5[%dma_start3A_465, %dma_start3A_472] : memref<2x640xi32, #tpu.memory_space<vmem>> -> memref<1x128xi32, #tpu.memory_space<vmem>>
      %dma_start3A_474 = tpu.memref_squeeze %dma_start3A_473 : memref<1x128xi32, #tpu.memory_space<vmem>> -> memref<128xi32, #tpu.memory_space<vmem>>
      %dma_start3A_475 = arith.constant 0 : i32
      %dma_start3A_476 = arith.constant 0 : i32
      %dma_start3A_477 = tpu.memref_slice %arg2[%dma_start3A_475, %dma_start3A_476] : memref<1000000x64xf32, #tpu.memory_space<hbm>> -> memref<1000000x64xf32, #tpu.memory_space<hbm>>
      %dma_start3A_478 = tpu.memref_slice %arg7[%dma_start3A_467] : memref<2x!tpu.dma_semaphore, #tpu.memory_space<semaphore_mem>> -> memref<1x!tpu.dma_semaphore, #tpu.memory_space<semaphore_mem>>
      %dma_start3A_479 = tpu.memref_squeeze %dma_start3A_478 : memref<1x!tpu.dma_semaphore, #tpu.memory_space<semaphore_mem>> -> memref<!tpu.dma_semaphore, #tpu.memory_space<semaphore_mem>>
      tpu.enqueue_indirect_dma source(%dma_start3A_477 : memref<1000000x64xf32, #tpu.memory_space<hbm>>) target(%dma_start3A_471 : memref<128x64xf32, #tpu.memory_space<vmem>>) offsets(%dma_start3A_474 : memref<128xi32, #tpu.memory_space<vmem>>) semaphore(%dma_start3A_479 : memref<!tpu.dma_semaphore, #tpu.memory_space<semaphore_mem>>)
      %dma_start3A_480 = arith.constant 1 : i32
      %dma_start3A_481 = arith.constant 1 : i32
      %dma_start3A_482 = arith.constant 1 : i32
      %dma_start3A_483 = arith.constant 128 : i32
      %dma_start3A_484 = arith.constant 0 : i32
      %dma_start3A_485 = tpu.memref_slice %arg6[%dma_start3A_481, %dma_start3A_483, %dma_start3A_484] : memref<2x640x64xf32, #tpu.memory_space<vmem>> -> memref<1x128x64xf32, #tpu.memory_space<vmem>>
      %dma_start3A_486 = tpu.memref_squeeze %dma_start3A_485 : memref<1x128x64xf32, #tpu.memory_space<vmem>> -> memref<128x64xf32, #tpu.memory_space<vmem>>
      %dma_start3A_487 = arith.constant 128 : i32
      %dma_start3A_488 = tpu.memref_slice %arg5[%dma_start3A_480, %dma_start3A_487] : memref<2x640xi32, #tpu.memory_space<vmem>> -> memref<1x128xi32, #tpu.memory_space<vmem>>
      %dma_start3A_489 = tpu.memref_squeeze %dma_start3A_488 : memref<1x128xi32, #tpu.memory_space<vmem>> -> memref<128xi32, #tpu.memory_space<vmem>>
      %dma_start3A_490 = arith.constant 0 : i32
      %dma_start3A_491 = arith.constant 0 : i32
      %dma_start3A_492 = tpu.memref_slice %arg2[%dma_start3A_490, %dma_start3A_491] : memref<1000000x64xf32, #tpu.memory_space<hbm>> -> memref<1000000x64xf32, #tpu.memory_space<hbm>>
      %dma_start3A_493 = tpu.memref_slice %arg7[%dma_start3A_482] : memref<2x!tpu.dma_semaphore, #tpu.memory_space<semaphore_mem>> -> memref<1x!tpu.dma_semaphore, #tpu.memory_space<semaphore_mem>>
      %dma_start3A_494 = tpu.memref_squeeze %dma_start3A_493 : memref<1x!tpu.dma_semaphore, #tpu.memory_space<semaphore_mem>> -> memref<!tpu.dma_semaphore, #tpu.memory_space<semaphore_mem>>
      tpu.enqueue_indirect_dma source(%dma_start3A_492 : memref<1000000x64xf32, #tpu.memory_space<hbm>>) target(%dma_start3A_486 : memref<128x64xf32, #tpu.memory_space<vmem>>) offsets(%dma_start3A_489 : memref<128xi32, #tpu.memory_space<vmem>>) semaphore(%dma_start3A_494 : memref<!tpu.dma_semaphore, #tpu.memory_space<semaphore_mem>>)
      %dma_start3A_495 = arith.constant 1 : i32
      %dma_start3A_496 = arith.constant 1 : i32
      %dma_start3A_497 = arith.constant 1 : i32
      %dma_start3A_498 = arith.constant 256 : i32
      %dma_start3A_499 = arith.constant 0 : i32
      %dma_start3A_500 = tpu.memref_slice %arg6[%dma_start3A_496, %dma_start3A_498, %dma_start3A_499] : memref<2x640x64xf32, #tpu.memory_space<vmem>> -> memref<1x128x64xf32, #tpu.memory_space<vmem>>
      %dma_start3A_501 = tpu.memref_squeeze %dma_start3A_500 : memref<1x128x64xf32, #tpu.memory_space<vmem>> -> memref<128x64xf32, #tpu.memory_space<vmem>>
      %dma_start3A_502 = arith.constant 256 : i32
      %dma_start3A_503 = tpu.memref_slice %arg5[%dma_start3A_495, %dma_start3A_502] : memref<2x640xi32, #tpu.memory_space<vmem>> -> memref<1x128xi32, #tpu.memory_space<vmem>>
      %dma_start3A_504 = tpu.memref_squeeze %dma_start3A_503 : memref<1x128xi32, #tpu.memory_space<vmem>> -> memref<128xi32, #tpu.memory_space<vmem>>
      %dma_start3A_505 = arith.constant 0 : i32
      %dma_start3A_506 = arith.constant 0 : i32
      %dma_start3A_507 = tpu.memref_slice %arg2[%dma_start3A_505, %dma_start3A_506] : memref<1000000x64xf32, #tpu.memory_space<hbm>> -> memref<1000000x64xf32, #tpu.memory_space<hbm>>
      %dma_start3A_508 = tpu.memref_slice %arg7[%dma_start3A_497] : memref<2x!tpu.dma_semaphore, #tpu.memory_space<semaphore_mem>> -> memref<1x!tpu.dma_semaphore, #tpu.memory_space<semaphore_mem>>
      %dma_start3A_509 = tpu.memref_squeeze %dma_start3A_508 : memref<1x!tpu.dma_semaphore, #tpu.memory_space<semaphore_mem>> -> memref<!tpu.dma_semaphore, #tpu.memory_space<semaphore_mem>>
      tpu.enqueue_indirect_dma source(%dma_start3A_507 : memref<1000000x64xf32, #tpu.memory_space<hbm>>) target(%dma_start3A_501 : memref<128x64xf32, #tpu.memory_space<vmem>>) offsets(%dma_start3A_504 : memref<128xi32, #tpu.memory_space<vmem>>) semaphore(%dma_start3A_509 : memref<!tpu.dma_semaphore, #tpu.memory_space<semaphore_mem>>)
      %dma_start3A_510 = arith.constant 1 : i32
      %dma_start3A_511 = arith.constant 1 : i32
      %dma_start3A_512 = arith.constant 1 : i32
      %dma_start3A_513 = arith.constant 384 : i32
      %dma_start3A_514 = arith.constant 0 : i32
      %dma_start3A_515 = tpu.memref_slice %arg6[%dma_start3A_511, %dma_start3A_513, %dma_start3A_514] : memref<2x640x64xf32, #tpu.memory_space<vmem>> -> memref<1x128x64xf32, #tpu.memory_space<vmem>>
      %dma_start3A_516 = tpu.memref_squeeze %dma_start3A_515 : memref<1x128x64xf32, #tpu.memory_space<vmem>> -> memref<128x64xf32, #tpu.memory_space<vmem>>
      %dma_start3A_517 = arith.constant 384 : i32
      %dma_start3A_518 = tpu.memref_slice %arg5[%dma_start3A_510, %dma_start3A_517] : memref<2x640xi32, #tpu.memory_space<vmem>> -> memref<1x128xi32, #tpu.memory_space<vmem>>
      %dma_start3A_519 = tpu.memref_squeeze %dma_start3A_518 : memref<1x128xi32, #tpu.memory_space<vmem>> -> memref<128xi32, #tpu.memory_space<vmem>>
      %dma_start3A_520 = arith.constant 0 : i32
      %dma_start3A_521 = arith.constant 0 : i32
      %dma_start3A_522 = tpu.memref_slice %arg2[%dma_start3A_520, %dma_start3A_521] : memref<1000000x64xf32, #tpu.memory_space<hbm>> -> memref<1000000x64xf32, #tpu.memory_space<hbm>>
      %dma_start3A_523 = tpu.memref_slice %arg7[%dma_start3A_512] : memref<2x!tpu.dma_semaphore, #tpu.memory_space<semaphore_mem>> -> memref<1x!tpu.dma_semaphore, #tpu.memory_space<semaphore_mem>>
      %dma_start3A_524 = tpu.memref_squeeze %dma_start3A_523 : memref<1x!tpu.dma_semaphore, #tpu.memory_space<semaphore_mem>> -> memref<!tpu.dma_semaphore, #tpu.memory_space<semaphore_mem>>
      tpu.enqueue_indirect_dma source(%dma_start3A_522 : memref<1000000x64xf32, #tpu.memory_space<hbm>>) target(%dma_start3A_516 : memref<128x64xf32, #tpu.memory_space<vmem>>) offsets(%dma_start3A_519 : memref<128xi32, #tpu.memory_space<vmem>>) semaphore(%dma_start3A_524 : memref<!tpu.dma_semaphore, #tpu.memory_space<semaphore_mem>>)
      %dma_start3A_525 = arith.constant 1 : i32
      %dma_start3A_526 = arith.constant 1 : i32
      %dma_start3A_527 = arith.constant 1 : i32
      %dma_start3A_528 = arith.constant 512 : i32
      %dma_start3A_529 = arith.constant 0 : i32
      %dma_start3A_530 = tpu.memref_slice %arg6[%dma_start3A_526, %dma_start3A_528, %dma_start3A_529] : memref<2x640x64xf32, #tpu.memory_space<vmem>> -> memref<1x128x64xf32, #tpu.memory_space<vmem>>
      %dma_start3A_531 = tpu.memref_squeeze %dma_start3A_530 : memref<1x128x64xf32, #tpu.memory_space<vmem>> -> memref<128x64xf32, #tpu.memory_space<vmem>>
      %dma_start3A_532 = arith.constant 512 : i32
      %dma_start3A_533 = tpu.memref_slice %arg5[%dma_start3A_525, %dma_start3A_532] : memref<2x640xi32, #tpu.memory_space<vmem>> -> memref<1x128xi32, #tpu.memory_space<vmem>>
      %dma_start3A_534 = tpu.memref_squeeze %dma_start3A_533 : memref<1x128xi32, #tpu.memory_space<vmem>> -> memref<128xi32, #tpu.memory_space<vmem>>
      %dma_start3A_535 = arith.constant 0 : i32
      %dma_start3A_536 = arith.constant 0 : i32
      %dma_start3A_537 = tpu.memref_slice %arg2[%dma_start3A_535, %dma_start3A_536] : memref<1000000x64xf32, #tpu.memory_space<hbm>> -> memref<1000000x64xf32, #tpu.memory_space<hbm>>
      %dma_start3A_538 = tpu.memref_slice %arg7[%dma_start3A_527] : memref<2x!tpu.dma_semaphore, #tpu.memory_space<semaphore_mem>> -> memref<1x!tpu.dma_semaphore, #tpu.memory_space<semaphore_mem>>
      %dma_start3A_539 = tpu.memref_squeeze %dma_start3A_538 : memref<1x!tpu.dma_semaphore, #tpu.memory_space<semaphore_mem>> -> memref<!tpu.dma_semaphore, #tpu.memory_space<semaphore_mem>>
      tpu.enqueue_indirect_dma source(%dma_start3A_537 : memref<1000000x64xf32, #tpu.memory_space<hbm>>) target(%dma_start3A_531 : memref<128x64xf32, #tpu.memory_space<vmem>>) offsets(%dma_start3A_534 : memref<128xi32, #tpu.memory_space<vmem>>) semaphore(%dma_start3A_539 : memref<!tpu.dma_semaphore, #tpu.memory_space<semaphore_mem>>)
    }
    %scan3A_161 = arith.constant 19 : i32
    %dma_wait3A = arith.constant 0 : i32
    %dma_wait3A_162 = arith.constant 0 : i32
    %dma_wait3A_163 = arith.constant 0 : i32
    %dma_wait3A_164 = arith.constant 0 : i32
    %dma_wait3A_165 = arith.constant 0 : i32
    %dma_wait3A_166 = tpu.memref_slice %arg6[%dma_wait3A_162, %dma_wait3A_164, %dma_wait3A_165] : memref<2x640x64xf32, #tpu.memory_space<vmem>> -> memref<1x640x64xf32, #tpu.memory_space<vmem>>
    %dma_wait3A_167 = tpu.memref_squeeze %dma_wait3A_166 : memref<1x640x64xf32, #tpu.memory_space<vmem>> -> memref<640x64xf32, #tpu.memory_space<vmem>>
    %dma_wait3A_168 = arith.constant 0 : i32
    %dma_wait3A_169 = tpu.memref_slice %arg5[%dma_wait3A, %dma_wait3A_168] : memref<2x640xi32, #tpu.memory_space<vmem>> -> memref<1x640xi32, #tpu.memory_space<vmem>>
    %dma_wait3A_170 = tpu.memref_squeeze %dma_wait3A_169 : memref<1x640xi32, #tpu.memory_space<vmem>> -> memref<640xi32, #tpu.memory_space<vmem>>
    %dma_wait3A_171 = arith.constant 0 : i32
    %dma_wait3A_172 = arith.constant 0 : i32
    %dma_wait3A_173 = tpu.memref_slice %arg2[%dma_wait3A_171, %dma_wait3A_172] : memref<1000000x64xf32, #tpu.memory_space<hbm>> -> memref<1000000x64xf32, #tpu.memory_space<hbm>>
    %dma_wait3A_174 = tpu.memref_slice %arg7[%dma_wait3A_163] : memref<2x!tpu.dma_semaphore, #tpu.memory_space<semaphore_mem>> -> memref<1x!tpu.dma_semaphore, #tpu.memory_space<semaphore_mem>>
    %dma_wait3A_175 = tpu.memref_squeeze %dma_wait3A_174 : memref<1x!tpu.dma_semaphore, #tpu.memory_space<semaphore_mem>> -> memref<!tpu.dma_semaphore, #tpu.memory_space<semaphore_mem>>
    tpu.wait_indirect_dma semaphore(%dma_wait3A_175 : memref<!tpu.dma_semaphore, #tpu.memory_space<semaphore_mem>>) src(%dma_wait3A_173 : memref<1000000x64xf32, #tpu.memory_space<hbm>>) dst(%dma_wait3A_167 : memref<640x64xf32, #tpu.memory_space<vmem>>)
    %add3A_176 = arith.constant 24320 : i32
    %add3A_177 = arith.addi %mul3A_2, %add3A_176 : i32
    %dma_start3A_178 = arith.constant 0 : i32
    %dma_start3A_179 = arith.constant 0 : i32
    %dma_start3A_180 = arith.constant 0 : i32
    %dma_start3A_181 = arith.constant 0 : i32
    %dma_start3A_182 = tpu.memref_slice %arg6[%dma_start3A_178, %dma_start3A_180, %dma_start3A_181] : memref<2x640x64xf32, #tpu.memory_space<vmem>> -> memref<1x640x64xf32, #tpu.memory_space<vmem>>
    %dma_start3A_183 = tpu.memref_squeeze %dma_start3A_182 : memref<1x640x64xf32, #tpu.memory_space<vmem>> -> memref<640x64xf32, #tpu.memory_space<vmem>>
    %dma_start3A_184 = arith.constant 0 : i32
    %dma_start3A_185 = tpu.memref_slice %arg4[%add3A_177, %dma_start3A_184] : memref<819200x64xf32, #tpu.memory_space<hbm>> -> memref<640x64xf32, #tpu.memory_space<hbm>>
    %dma_start3A_186 = tpu.memref_slice %arg8[%dma_start3A_179] : memref<2x!tpu.dma_semaphore, #tpu.memory_space<semaphore_mem>> -> memref<1x!tpu.dma_semaphore, #tpu.memory_space<semaphore_mem>>
    %dma_start3A_187 = tpu.memref_squeeze %dma_start3A_186 : memref<1x!tpu.dma_semaphore, #tpu.memory_space<semaphore_mem>> -> memref<!tpu.dma_semaphore, #tpu.memory_space<semaphore_mem>>
    %dma_start3A_188 = arith.constant 0 : i32
    %dma_start3A_189 = tpu.memref_slice %arg4[%add3A_177, %dma_start3A_188] : memref<819200x64xf32, #tpu.memory_space<hbm>> -> memref<640x64xf32, #tpu.memory_space<hbm>>
    %dma_start3A_190 = arith.constant 0 : i32
    %dma_start3A_191 = arith.constant 0 : i32
    %dma_start3A_192 = tpu.memref_slice %arg6[%dma_start3A_178, %dma_start3A_190, %dma_start3A_191] : memref<2x640x64xf32, #tpu.memory_space<vmem>> -> memref<1x640x64xf32, #tpu.memory_space<vmem>>
    %dma_start3A_193 = tpu.memref_squeeze %dma_start3A_192 : memref<1x640x64xf32, #tpu.memory_space<vmem>> -> memref<640x64xf32, #tpu.memory_space<vmem>>
    tpu.enqueue_dma source(%dma_start3A_193 : memref<640x64xf32, #tpu.memory_space<vmem>>) target(%dma_start3A_189 : memref<640x64xf32, #tpu.memory_space<hbm>>) target_semaphore(%dma_start3A_187 : memref<!tpu.dma_semaphore, #tpu.memory_space<semaphore_mem>>)
    %dma_wait3A_194 = arith.constant 1 : i32
    %dma_wait3A_195 = arith.constant 1 : i32
    %dma_wait3A_196 = arith.constant 1 : i32
    %dma_wait3A_197 = arith.constant 0 : i32
    %dma_wait3A_198 = arith.constant 0 : i32
    %dma_wait3A_199 = tpu.memref_slice %arg6[%dma_wait3A_195, %dma_wait3A_197, %dma_wait3A_198] : memref<2x640x64xf32, #tpu.memory_space<vmem>> -> memref<1x640x64xf32, #tpu.memory_space<vmem>>
    %dma_wait3A_200 = tpu.memref_squeeze %dma_wait3A_199 : memref<1x640x64xf32, #tpu.memory_space<vmem>> -> memref<640x64xf32, #tpu.memory_space<vmem>>
    %dma_wait3A_201 = arith.constant 0 : i32
    %dma_wait3A_202 = tpu.memref_slice %arg5[%dma_wait3A_194, %dma_wait3A_201] : memref<2x640xi32, #tpu.memory_space<vmem>> -> memref<1x640xi32, #tpu.memory_space<vmem>>
    %dma_wait3A_203 = tpu.memref_squeeze %dma_wait3A_202 : memref<1x640xi32, #tpu.memory_space<vmem>> -> memref<640xi32, #tpu.memory_space<vmem>>
    %dma_wait3A_204 = arith.constant 0 : i32
    %dma_wait3A_205 = arith.constant 0 : i32
    %dma_wait3A_206 = tpu.memref_slice %arg2[%dma_wait3A_204, %dma_wait3A_205] : memref<1000000x64xf32, #tpu.memory_space<hbm>> -> memref<1000000x64xf32, #tpu.memory_space<hbm>>
    %dma_wait3A_207 = tpu.memref_slice %arg7[%dma_wait3A_196] : memref<2x!tpu.dma_semaphore, #tpu.memory_space<semaphore_mem>> -> memref<1x!tpu.dma_semaphore, #tpu.memory_space<semaphore_mem>>
    %dma_wait3A_208 = tpu.memref_squeeze %dma_wait3A_207 : memref<1x!tpu.dma_semaphore, #tpu.memory_space<semaphore_mem>> -> memref<!tpu.dma_semaphore, #tpu.memory_space<semaphore_mem>>
    tpu.wait_indirect_dma semaphore(%dma_wait3A_208 : memref<!tpu.dma_semaphore, #tpu.memory_space<semaphore_mem>>) src(%dma_wait3A_206 : memref<1000000x64xf32, #tpu.memory_space<hbm>>) dst(%dma_wait3A_200 : memref<640x64xf32, #tpu.memory_space<vmem>>)
    %add3A_209 = arith.constant 24960 : i32
    %add3A_210 = arith.addi %mul3A_2, %add3A_209 : i32
    %dma_start3A_211 = arith.constant 1 : i32
    %dma_start3A_212 = arith.constant 1 : i32
    %dma_start3A_213 = arith.constant 0 : i32
    %dma_start3A_214 = arith.constant 0 : i32
    %dma_start3A_215 = tpu.memref_slice %arg6[%dma_start3A_211, %dma_start3A_213, %dma_start3A_214] : memref<2x640x64xf32, #tpu.memory_space<vmem>> -> memref<1x640x64xf32, #tpu.memory_space<vmem>>
    %dma_start3A_216 = tpu.memref_squeeze %dma_start3A_215 : memref<1x640x64xf32, #tpu.memory_space<vmem>> -> memref<640x64xf32, #tpu.memory_space<vmem>>
    %dma_start3A_217 = arith.constant 0 : i32
    %dma_start3A_218 = tpu.memref_slice %arg4[%add3A_210, %dma_start3A_217] : memref<819200x64xf32, #tpu.memory_space<hbm>> -> memref<640x64xf32, #tpu.memory_space<hbm>>
    %dma_start3A_219 = tpu.memref_slice %arg8[%dma_start3A_212] : memref<2x!tpu.dma_semaphore, #tpu.memory_space<semaphore_mem>> -> memref<1x!tpu.dma_semaphore, #tpu.memory_space<semaphore_mem>>
    %dma_start3A_220 = tpu.memref_squeeze %dma_start3A_219 : memref<1x!tpu.dma_semaphore, #tpu.memory_space<semaphore_mem>> -> memref<!tpu.dma_semaphore, #tpu.memory_space<semaphore_mem>>
    %dma_start3A_221 = arith.constant 0 : i32
    %dma_start3A_222 = tpu.memref_slice %arg4[%add3A_210, %dma_start3A_221] : memref<819200x64xf32, #tpu.memory_space<hbm>> -> memref<640x64xf32, #tpu.memory_space<hbm>>
    %dma_start3A_223 = arith.constant 0 : i32
    %dma_start3A_224 = arith.constant 0 : i32
    %dma_start3A_225 = tpu.memref_slice %arg6[%dma_start3A_211, %dma_start3A_223, %dma_start3A_224] : memref<2x640x64xf32, #tpu.memory_space<vmem>> -> memref<1x640x64xf32, #tpu.memory_space<vmem>>
    %dma_start3A_226 = tpu.memref_squeeze %dma_start3A_225 : memref<1x640x64xf32, #tpu.memory_space<vmem>> -> memref<640x64xf32, #tpu.memory_space<vmem>>
    tpu.enqueue_dma source(%dma_start3A_226 : memref<640x64xf32, #tpu.memory_space<vmem>>) target(%dma_start3A_222 : memref<640x64xf32, #tpu.memory_space<hbm>>) target_semaphore(%dma_start3A_220 : memref<!tpu.dma_semaphore, #tpu.memory_space<semaphore_mem>>)
    %add3A_227 = arith.constant 24320 : i32
    %add3A_228 = arith.addi %mul3A_2, %add3A_227 : i32
    %dma_wait3A_229 = arith.constant 0 : i32
    %dma_wait3A_230 = arith.constant 0 : i32
    %dma_wait3A_231 = arith.constant 0 : i32
    %dma_wait3A_232 = arith.constant 0 : i32
    %dma_wait3A_233 = tpu.memref_slice %arg6[%dma_wait3A_229, %dma_wait3A_231, %dma_wait3A_232] : memref<2x640x64xf32, #tpu.memory_space<vmem>> -> memref<1x640x64xf32, #tpu.memory_space<vmem>>
    %dma_wait3A_234 = tpu.memref_squeeze %dma_wait3A_233 : memref<1x640x64xf32, #tpu.memory_space<vmem>> -> memref<640x64xf32, #tpu.memory_space<vmem>>
    %dma_wait3A_235 = arith.constant 0 : i32
    %dma_wait3A_236 = tpu.memref_slice %arg4[%add3A_228, %dma_wait3A_235] : memref<819200x64xf32, #tpu.memory_space<hbm>> -> memref<640x64xf32, #tpu.memory_space<hbm>>
    %dma_wait3A_237 = tpu.memref_slice %arg8[%dma_wait3A_230] : memref<2x!tpu.dma_semaphore, #tpu.memory_space<semaphore_mem>> -> memref<1x!tpu.dma_semaphore, #tpu.memory_space<semaphore_mem>>
    %dma_wait3A_238 = tpu.memref_squeeze %dma_wait3A_237 : memref<1x!tpu.dma_semaphore, #tpu.memory_space<semaphore_mem>> -> memref<!tpu.dma_semaphore, #tpu.memory_space<semaphore_mem>>
    %dma_wait3A_239 = arith.constant 0 : i32
    %dma_wait3A_240 = tpu.memref_slice %arg4[%add3A_228, %dma_wait3A_239] : memref<819200x64xf32, #tpu.memory_space<hbm>> -> memref<640x64xf32, #tpu.memory_space<hbm>>
    %dma_wait3A_241 = arith.constant 0 : i32
    %dma_wait3A_242 = arith.constant 0 : i32
    %dma_wait3A_243 = tpu.memref_slice %arg6[%dma_wait3A_229, %dma_wait3A_241, %dma_wait3A_242] : memref<2x640x64xf32, #tpu.memory_space<vmem>> -> memref<1x640x64xf32, #tpu.memory_space<vmem>>
    %dma_wait3A_244 = tpu.memref_squeeze %dma_wait3A_243 : memref<1x640x64xf32, #tpu.memory_space<vmem>> -> memref<640x64xf32, #tpu.memory_space<vmem>>
    tpu.wait_dma2 semaphore(%dma_wait3A_238 : memref<!tpu.dma_semaphore, #tpu.memory_space<semaphore_mem>>) src(%dma_wait3A_244 : memref<640x64xf32, #tpu.memory_space<vmem>>) dst(%dma_wait3A_240 : memref<640x64xf32, #tpu.memory_space<hbm>>)
    %add3A_245 = arith.constant 24960 : i32
    %add3A_246 = arith.addi %mul3A_2, %add3A_245 : i32
    %dma_wait3A_247 = arith.constant 1 : i32
    %dma_wait3A_248 = arith.constant 1 : i32
    %dma_wait3A_249 = arith.constant 0 : i32
    %dma_wait3A_250 = arith.constant 0 : i32
    %dma_wait3A_251 = tpu.memref_slice %arg6[%dma_wait3A_247, %dma_wait3A_249, %dma_wait3A_250] : memref<2x640x64xf32, #tpu.memory_space<vmem>> -> memref<1x640x64xf32, #tpu.memory_space<vmem>>
    %dma_wait3A_252 = tpu.memref_squeeze %dma_wait3A_251 : memref<1x640x64xf32, #tpu.memory_space<vmem>> -> memref<640x64xf32, #tpu.memory_space<vmem>>
    %dma_wait3A_253 = arith.constant 0 : i32
    %dma_wait3A_254 = tpu.memref_slice %arg4[%add3A_246, %dma_wait3A_253] : memref<819200x64xf32, #tpu.memory_space<hbm>> -> memref<640x64xf32, #tpu.memory_space<hbm>>
    %dma_wait3A_255 = tpu.memref_slice %arg8[%dma_wait3A_248] : memref<2x!tpu.dma_semaphore, #tpu.memory_space<semaphore_mem>> -> memref<1x!tpu.dma_semaphore, #tpu.memory_space<semaphore_mem>>
    %dma_wait3A_256 = tpu.memref_squeeze %dma_wait3A_255 : memref<1x!tpu.dma_semaphore, #tpu.memory_space<semaphore_mem>> -> memref<!tpu.dma_semaphore, #tpu.memory_space<semaphore_mem>>
    %dma_wait3A_257 = arith.constant 0 : i32
    %dma_wait3A_258 = tpu.memref_slice %arg4[%add3A_246, %dma_wait3A_257] : memref<819200x64xf32, #tpu.memory_space<hbm>> -> memref<640x64xf32, #tpu.memory_space<hbm>>
    %dma_wait3A_259 = arith.constant 0 : i32
    %dma_wait3A_260 = arith.constant 0 : i32
    %dma_wait3A_261 = tpu.memref_slice %arg6[%dma_wait3A_247, %dma_wait3A_259, %dma_wait3A_260] : memref<2x640x64xf32, #tpu.memory_space<vmem>> -> memref<1x640x64xf32, #tpu.memory_space<vmem>>
    %dma_wait3A_262 = tpu.memref_squeeze %dma_wait3A_261 : memref<1x640x64xf32, #tpu.memory_space<vmem>> -> memref<640x64xf32, #tpu.memory_space<vmem>>
    tpu.wait_dma2 semaphore(%dma_wait3A_256 : memref<!tpu.dma_semaphore, #tpu.memory_space<semaphore_mem>>) src(%dma_wait3A_262 : memref<640x64xf32, #tpu.memory_space<vmem>>) dst(%dma_wait3A_258 : memref<640x64xf32, #tpu.memory_space<hbm>>)
    return
  }
}

</mosaic_0001>

<sc_bundles>
// kernel: kernel.3.cloned.1.call-start
scs
__scs_entry_jumppad:
0x0: {  	(pc) =	sbr.rel $0x88, $3  }
0x1: {  	(tag) =	ssettag $0x0;
	lr =	simm.s32 $0x1  }
0x2: {  	[smem:$0x3F9F] =	sst lr;
	_ =	strace $0xD0000000  }
0x3: {  	_ = 	snop  }
0x4: {  	_ = 	snop  }
0x5: {  	_ = 	snop  }
0x6: {  	_ = 	snop  }
0x7: {  	_ = 	snop  }
__scs_overlays_trampoline_lowered:
0x8: {  	[smem:$0x3FAE] =	sst s0  }
0x9: {  	[smem:$0x3FAF] =	sst s1  }
0xa: {  	[smem:$0x3FB0] =	sst s2  }
0xb: {  	[smem:$0x3FB1] =	sst s3  }
0xc: {  	[smem:$0x3FB2] =	sst s4  }
0xd: {  	[smem:$0x3FB3] =	sst s5  }
0xe: {  	[smem:$0x3FB4] =	sst s6  }
0xf: {  	[smem:$0x3FB5] =	sst s7  }
0x10: {  	[smem:$0x3FB6] =	sst s8  }
0x11: {  	[smem:$0x3FB7] =	sst s9;
	s0 =	simm.s32 @!p0 $0x0  }
0x12: {  	s1 =	sld [smem:$0x3F9D];
	s0 =	simm.s32 @p0 $0x1  }
0x13: {  	[smem:$0x3FB8] =	sst s0;
	s0 =	simm.s32 @!p1 $0x0  }
0x14: {  	s2 =	sld [smem:$0x3F9C];
	s0 =	simm.s32 @p1 $0x1  }
0x15: {  	[smem:$0x3FB9] =	sst s0;
	s0 =	simm.s32 @!p2 $0x0  }
0x16: {  	s3 =	sld [smem:$0x3FDB];
	s0 =	simm.s32 @p2 $0x1  }
0x17: {  	s4 =	simm.s32 $0x1BF5;
	[smem:$0x3FBB] =	sst s0  }
0x18: {  	s0 =	sld [smem:$0x3F9E];
	_ =	swait.ge [sflag:s4], $0x0  }
0x19: {  	s7 =	sld [smem:$0x3F9F]  }
0x1a: {  	s8 =	sadd.s32 $0xFFFFE003, lr  }
0x1b: {  	s9 =	sadd.s32 $0xFFFFFEF7, lr;
	s5 =	simm.s32 $0xFFFFFFFF;
	p2 =	slt.u32 s8, $0xFFFFF086  }
0x1c: {  	p1 =	slt.u32 s9, $0xF7A;
	s5 =	simm.s32 @!p2 $0x0  }
0x1d: {  	s5 =	simm.s32 @p1 $0x1;
	p0 =	seq.s32 s7, s2  }
0x1e: {  	s7 =	smul.u32 @!p0 $0xF7A, s2;
	p2 =	seq.s32 @!p0 s5, $0x0  }
0x1f: {  	s9 =	smul.u32 $0xF7A, s1;
	s8 =	simm.s32 @!p0 $0x1BF5;
	p2 =	por !p2, p0  }
0x20: {  	[sflag:s8] =	ssyncset.s32 @!p0 $0xFFFFF086;
	s6 =	sadd.s32 @!p0 s3, s7;
	s7 =	simm.s32 @!p0 $0x108  }
0x21: {  	s3 =	sadd.s32 s3, s9;
	s6 =	sadd.s32 @!p0 $0x88, s6;
	s7 =	simm.s32 @p2 $0x1082  }
0x22: {  	[simem:s7], [sflag:s8] =	dma.local @!p0 [hbm:s6], $0xF7A  }
0x23: {  	s9 =	sor.u32 $0xD0000000, s2;
	s6 =	simm.s32 $0x108;
	_ =	swait.ge @!p0 [sflag:s8], $0x0  }
0x24: {  	s3 =	sadd.s32 $0x88, s3;
	s6 =	simm.s32 @!p1 $0x1082;
	[sflag:s4] =	ssyncset.s32 $0xFFFFF086  }
0x25: {  	[simem:s6], [sflag:s4] =	dma.local [hbm:s3], $0xF7A  }
0x26: {  	[smem:$0x3F9F] =	sst s1;
	(tag) =	ssettag s2;
	_ =	strace s9  }
0x27: {  	s1 =	sld [smem:$0x3FAF]  }
0x28: {  	s2 =	sld [smem:$0x3FB0]  }
0x29: {  	s4 =	sld [smem:$0x3FB2]  }
0x2a: {  	p0 =	seq.s32 s5, $0x0;
	s5 =	sld [smem:$0x3FB3]  }
0x2b: {  	s6 =	sld [smem:$0x3FB4]  }
0x2c: {  	s7 =	sld [smem:$0x3FB5]  }
0x2d: {  	s3 =	simm.s32 $0x108;
	s8 =	sld [smem:$0x3FB6]  }
0x2e: {  	s3 =	simm.s32 @!p0 $0x1082;
	s9 =	sld [smem:$0x3FB7]  }
0x2f: {  	lr =	sadd.s32 s0, s3;
	s0 =	sld [smem:$0x3FAE]  }
0x30: {  	s3 =	sld [smem:$0x3FB1]  }
0x31: {  	[smem:$0x3FBA] =	sst s10  }
0x32: {  	s10 =	sld [smem:$0x3FB8];
	_ =	sdelay $0x3  }
0x33: {  	p0 =	seq.s32 s10, $0x1;
	s10 =	sld [smem:$0x3FBA];
	_ =	sdelay $0x3  }
0x34: {  	[smem:$0x3FBA] =	sst s10  }
0x35: {  	s10 =	sld [smem:$0x3FB9];
	_ =	sdelay $0x3  }
0x36: {  	p1 =	seq.s32 s10, $0x1;
	s10 =	sld [smem:$0x3FBA];
	_ =	sdelay $0x3  }
0x37: {  	[smem:$0x3FBA] =	sst s10  }
0x38: {  	s10 =	sld [smem:$0x3FBB]  }
0x39: {  	_ = 	snop;
	(pc) =	sbr.ind lr, $3  }
0x3a: {  	_ = 	snop  }
0x3b: {  	_ = 	snop  }
0x3c: {  	p2 =	seq.s32 s10, $0x1;
	s10 =	sld [smem:$0x3FBA]  }
0x3d: {  	_ =	shalt  }
0x3e: {  	_ =	shalt  }
0x3f: {  	_ =	shalt  }
0x40: {  	_ =	shalt  }
0x41: {  	_ =	shalt  }
0x42: {  	_ =	shalt  }
0x43: {  	_ =	shalt  }
0x44: {  	_ =	shalt  }
0x45: {  	_ =	shalt  }
0x46: {  	_ =	shalt  }
0x47: {  	_ =	shalt  }
0x48: {  	_ =	shalt  }
0x49: {  	_ =	shalt  }
0x4a: {  	_ =	shalt  }
0x4b: {  	_ =	shalt  }
0x4c: {  	_ =	shalt  }
0x4d: {  	_ =	shalt  }
0x4e: {  	_ =	shalt  }
0x4f: {  	_ =	shalt  }
0x50: {  	_ =	shalt  }
0x51: {  	_ =	shalt  }
0x52: {  	_ =	shalt  }
0x53: {  	_ =	shalt  }
0x54: {  	_ =	shalt  }
0x55: {  	_ =	shalt  }
0x56: {  	_ =	shalt  }
0x57: {  	_ =	shalt  }
0x58: {  	_ =	shalt  }
0x59: {  	_ =	shalt  }
0x5a: {  	_ =	shalt  }
0x5b: {  	_ =	shalt  }
0x5c: {  	_ =	shalt  }
0x5d: {  	_ =	shalt  }
0x5e: {  	_ =	shalt  }
0x5f: {  	_ =	shalt  }
0x60: {  	_ =	shalt  }
0x61: {  	_ =	shalt  }
0x62: {  	_ =	shalt  }
0x63: {  	_ =	shalt  }
0x64: {  	_ =	shalt  }
0x65: {  	_ =	shalt  }
0x66: {  	_ =	shalt  }
0x67: {  	_ =	shalt  }
0x68: {  	_ =	shalt  }
0x69: {  	_ =	shalt  }
0x6a: {  	_ =	shalt  }
0x6b: {  	_ =	shalt  }
0x6c: {  	_ =	shalt  }
0x6d: {  	_ =	shalt  }
0x6e: {  	_ =	shalt  }
0x6f: {  	_ =	shalt  }
0x70: {  	_ =	shalt  }
0x71: {  	_ =	shalt  }
0x72: {  	_ =	shalt  }
0x73: {  	_ =	shalt  }
0x74: {  	_ =	shalt  }
0x75: {  	_ =	shalt  }
0x76: {  	_ =	shalt  }
0x77: {  	_ =	shalt  }
0x78: {  	_ =	shalt  }
0x79: {  	_ =	shalt  }
0x7a: {  	_ =	shalt  }
0x7b: {  	_ =	shalt  }
0x7c: {  	_ =	shalt  }
0x7d: {  	_ =	shalt  }
0x7e: {  	_ =	shalt  }
0x7f: {  	_ =	shalt  }
0x80: {  	_ =	shalt  }
0x81: {  	_ =	shalt  }
0x82: {  	_ =	shalt  }
0x83: {  	_ =	shalt  }
0x84: {  	_ =	shalt  }
0x85: {  	_ =	shalt  }
0x86: {  	_ =	shalt  }
0x87: {  	_ =	shalt  }
.Lfunc_end0:
.L_simem_size_0:
called_computation.1_lowered:
.L_overlay_start_0:
0x88: {  	s2 =	sld [smem:$0x3FD9]  }
0x89: {  	s3 =	sld [smem:$0x3FFE];
	_ =	sdelay $0x1  }
0x8a: {  	s1 =	srdreg.scid  }
0x8b: {  	s0 =	sand.u32 $0x1, s1  }
0x8c: {  	s17 =	sshll.u32 s0, $0xA;
	s2 =	sadd.s32 s3, s2  }
0x8d: {  	s2 =	sadd.s32 s2, s17  }
0x8e: {  	[smem:$0x3FC6] =	sst s2  }
0x8f: {  	_ = 	snop  }
0x90: {  	s2 =	sld [smem:$0x3FD0];
	(tm) =	ssettm $0x1  }
0x91: {  	s18 =	sld [smem:$0x3FFB];
	_ =	sdelay $0x3  }
0x92: {  	_ =	strace s18  }
0x93: {  	s3 =	sld [smem:$0x3FFC];
	_ =	sdelay $0x3  }
0x94: {  	_ =	strace s3  }
0x95: {  	s3 =	sld [smem:$0x3FFD];
	_ =	sdelay $0x3  }
0x96: {  	_ =	strace s3  }
0x97: {  	_ =	strace $0x8FFFFFFF  }
0x98: {  	s19 =	sld [smem:$0x3FDB];
	_ =	sdelay $0x1  }
0x99: {  	s4 =	simm.s32 $_scs_section_size  }
0x9a: {  	s5 =	simm.s32 $_size__tile_overlayer_lowered;
	s6 =	simm.s32 $_tile_overlayer_lowered  }
0x9b: {  	s22 =	simm.s32 $0x1BFF;
	s21 =	sshll.u32 s6, $0x1;
	s3 =	sadd.s32 s4, s19  }
0x9c: {  	s7 =	simm.s32 $0x0;
	s20 =	sshll.u32 s5, $0x1;
	s5 =	sadd.s32 s21, s3  }
0x9d: {  	[timem:s7], [sflag:s22] =	dma.local [hbm:s5], s20  }
0x9e: {  	_ =	swait.ge [sflag:s22], s20  }
0x9f: {  	s4 =	ssub.s32 $0x0, s20;
	[sflag:s22] =	ssyncset.done $0x0  }
0xa0: {  	[sflag:s22] =	ssyncadd.s32 s4;
	_ =	sdelay $0x1  }
0xa1: {  	s23 =	simm.s32 $0x1B8B  }
0xa2: {  	_ =	swait.ge [sflag:s23], $0x1  }
0xa3: {  	[sflag:s23] =	ssyncset.done $0x0  }
0xa4: {  	s25 =	simm.s32 $0x1B8E;
	s24 =	sld [smem:$0x3FFE];
	[sflag:s23] =	ssyncadd.s32 $0xFFFFFFFF  }
0xa5: {  	s26 =	simm.s32 $execute0_lowered;
	[smem:$0x3FD2] =	sst s25  }
0xa6: {  	s5 =	sshll.u32 s26, $0x1;
	_ =	strace $0x80000046;
	[dreg:$0x1] =	wrdreg $0xFFFFFFFF  }
0xa7: {  	s28 =	simm.s32 $_size_execute0_lowered;
	s3 =	sadd.s32 s3, s5;
	[dreg:$0x0] =	wrdreg $0x0  }
0xa8: {  	s5 =	sshll.u32 s28, $0x1;
	[dreg:$0x2] =	wrdreg s3  }
0xa9: {  	[dreg:$0x3] =	wrdreg s5  }
0xaa: {  	[dreg:$0x4] =	wrdreg $0xC0  }
0xab: {  	_ =	task [dreg:s7], $0x5FFFF  }
0xac: {  	[dreg:$0x1] =	wrdreg $0xFFFFFFFF  }
0xad: {  	[dreg:$0x0] =	wrdreg $0x60  }
0xae: {  	[dreg:$0x2] =	wrdreg s24  }
0xaf: {  	[dreg:$0x3] =	wrdreg s2  }
0xb0: {  	[dreg:$0x4] =	wrdreg $0x9  }
0xb1: {  	_ =	task.clear_ibuf [dreg:s7], $0x5FFFF;
	_ =	strace $0x90000046  }
0xb2: {  	s29 =	simm.s32 $0x9;
	_ =	strace $0x80000048  }
0xb3: {  	_ =	swait.ge [sflag:s29], $0x1  }
0xb4: {  	[sflag:s29] =	ssyncadd.s32 $0xFFFFFFFF  }
0xb5: {  	_ =	strace $0x90000048  }
0xb6: {  	_ =	sfence  }
0xb7: {  	s30 =	sld [smem:$0x0];
	_ =	sdelay $0x2  }
0xb8: {  	s31 =	sshll.u32 s1, $0xD;
	s1 =	sshrl.u32 s1, $0x2  }
0xb9: {  	s3 =	sand.u32 $0x4000, s31;
	s1 =	sadd.s32 s1, s30  }
0xba: {  	s0 =	sor.u32 s3, s0;
	s1 =	sshll.u32 s1, $0x11  }
0xbb: {  	s0 =	sor.u32 s1, s0  }
0xbc: {  	s0 =	sadd.s32 $0x8F2B, s0  }
0xbd: {  	[sflag:s0] =	ssyncadd.remote.s32 $0x1  }
0xbe: {  	_ =	sfence.sel $0xFFFF  }
0xbf: {  	[dreg:$0x0] =	wrdreg $0xFFFFFFFF;
	(pc) =	sbr.abs _section_cstart, $3  }
0xc0: {  	[dreg:$0x1] =	wrdreg $0xFFFFFFFF  }
0xc1: {  	_ =	task.clear_ibuf [dreg:s7], $0x2FFFF;
	_ =	strace $0x9FFFFFFF  }
0xc2: {  	(tm) =	ssettm $0x7FFFFFFF  }
0xc3: {  	_ =	shalt  }
tec
execute0_lowered:
.L_overlay_start_1:
0x0: {  	(tag) =	ssettag $0x1  }
0x1: {  	s0 =	rddreg [dreg:$0x0]  }
0x2: {  	s1 =	rddreg [dreg:$0x1];
	s2 =	simm.s32 $0x0;
	s3 =	srdreg.scid  }
0x3: {  	s10 =	stileid.u32;
	s12 =	simm.s32 $0x5;
	s13 =	simm.s32 $0x80  }
0x4: {  	s14 =	simm.s32 $0x500;
	s28 =	simm.s32 $0xE500;
	s29 =	simm.s32 $0x400  }
0x5: {  	s30 =	simm.s32 $0x10500;
	s31 =	simm.s32 $0x10500;
	s9 =	smul.u32 $0xC800, s10  }
0x6: {  	[smem:$0x7FF] =	sst s2;
	s5 =	sand.u32 $0x1, s3;
	s22 =	smul.u32 $0x64000, s10  }
0x7: {  	s15 =	sshll.u32 s10, $0x1;
	s3 =	sadd.s32 $0xF42E00, s0;
	s17 =	smul.u32 $0x6400, s5  }
0x8: {  	s6 =	sor.u32 s5, s15;
	s16 =	ssub.s32 $0x2, s5;
	s5 =	smul.u32 $0x32000, s5  }
0x9: {  	s4 =	sadd.s32 $0xA00, s0;
	_ =	strace $0x80000047;
	s7 =	smul.u32 $0x6400, s6  }
0xa: {  	s15 =	simm.s32 $0x100;
	s6 =	smul.u32 $0x190000, s6;
	s8 =	sshrl.u32 s16, $0x1  }
0xb: {  	s0 =	ssub.s32 s16, s8;
	s20 =	sadd.s32 s17, s9;
	s16 =	simm.s32 $0x2500  }
0xc: {  	s17 =	simm.s32 $0x4500;
	s9 =	simm.s32 $0x0;
	s7 =	sshrl.u32 s7, $0x3  }
0xd: {  	s6 =	sshrl.u32 s6, $0x3;
	s0 =	smax.u32 s0, $0x1;
	s21 =	sshll.u32 s20, $0x3  }
0xe: {  	s23 =	sadd.s32 $0x780, s20;
	s26 =	sadd.s32 $0x500, s20;
	s20 =	simm.s32 $0x200  }
0xf: {  	s11 =	sadd.s32 s4, s7;
	s6 =	sadd.s32 s1, s6;
	[dreg:$0x9] =	wrdreg s0  }
0x10: {  	s0 =	sadd.s32 s21, s1;
	s8 =	sshrl.u32 s23, $0x3;
	[dreg:$0xb] =	wrdreg s26  }
0x11: {  	s1 =	sadd.s32 s22, s1;
	[dreg:$0x5] =	wrdreg s11;
	s18 =	sadd.s32 $0x50, s11  }
0x12: {  	s21 =	simm.s32 $0x8500;
	s19 =	sadd.s32 $0x2F800, s6;
	[dreg:$0x6] =	wrdreg s18  }
0x13: {  	s22 =	simm.s32 $0x280;
	s6 =	sadd.s32 $0x30C00, s6;
	[dreg:$0x7] =	wrdreg s19  }
0x14: {  	s23 =	simm.s32 $0xA500;
	s24 =	sadd.s32 s8, s4;
	[dreg:$0x8] =	wrdreg s6  }
0x15: {  	s26 =	simm.s32 $0x380;
	s0 =	sadd.s32 $0x1400, s0;
	[dreg:$0xa] =	wrdreg s24  }
0x16: {  	s7 =	simm.s32 $0x2;
	s25 =	sadd.s32 s5, s1;
	[dreg:$0x3] =	wrdreg s0  }
0x17: {  	s1 =	simm.s32 $0x1;
	s8 =	simm.s32 $0x4;
	[dreg:$0x4] =	wrdreg s25  }
0x18: {  	s18 =	simm.s32 $0x180;
	s19 =	simm.s32 $0x6500;
	s24 =	simm.s32 $0x300  }
0x19: {  	s25 =	simm.s32 $0xC500;
	s0 =	simm.s32 $0x12500;
	s6 =	simm.s32 $0x3  }
.LBB2_1:
0x1a: {  	[dreg:$0xc] =	wrdreg s9  }
0x1b: {  	s5 =	rddreg [dreg:$0x5]  }
0x1c: {  	[tilespmem:s2], [sflag:$0x5] =	stream.linear.gather [hbm4b:s5+s2], $0x280, $0x38;
	[tilespmem:$0x14500] =	vst v63  }
0x1d: {  	_ =	swait.ge [sflag:s12], $0x280  }
0x1e: {  	[sflag:s12] =	ssyncset.done $0x0  }
0x1f: {  	[sflag:s12] =	ssyncadd.s32 $0xFFFFFD80  }
0x20: {  	[tilespmem:s14], [sflag:$0x1] =	stream.indirect.gather [hbm4b:s3+s13], $0x40, s2, s13, $0xb8;
	[tilespmem:$0x14500] =	vst v63  }
0x21: {  	_ = 	snop  }
0x22: {  	[tilespmem:s16], [sflag:$0x1] =	stream.indirect.gather [hbm4b:s3+s13], $0x40, s13, s13, $0xb8;
	[tilespmem:$0x14500] =	vst v63  }
0x23: {  	_ = 	snop  }
0x24: {  	[tilespmem:s17], [sflag:$0x1] =	stream.indirect.gather [hbm4b:s3+s13], $0x40, s15, s13, $0xb8;
	[tilespmem:$0x14500] =	vst v63  }
0x25: {  	_ = 	snop  }
0x26: {  	[tilespmem:s19], [sflag:$0x1] =	stream.indirect.gather [hbm4b:s3+s13], $0x40, s18, s13, $0xb8;
	[tilespmem:$0x14500] =	vst v63  }
0x27: {  	_ = 	snop  }
0x28: {  	[tilespmem:s21], [sflag:$0x1] =	stream.indirect.gather [hbm4b:s3+s13], $0x40, s20, s13, $0xb8;
	[tilespmem:$0x14500] =	vst v63  }
0x29: {  	s10 =	rddreg [dreg:$0x6]  }
0x2a: {  	[tilespmem:s22], [sflag:$0x5] =	stream.linear.gather [hbm4b:s10+s2], $0x280, $0x38;
	[tilespmem:$0x14500] =	vst v63  }
0x2b: {  	_ =	swait.ge [sflag:s12], $0x280  }
0x2c: {  	[sflag:s12] =	ssyncset.done $0x0  }
0x2d: {  	[sflag:s12] =	ssyncadd.s32 $0xFFFFFD80  }
0x2e: {  	[tilespmem:s23], [sflag:$0x2] =	stream.indirect.gather [hbm4b:s3+s13], $0x40, s22, s13, $0xb8;
	[tilespmem:$0x14500] =	vst v63  }
0x2f: {  	_ = 	snop  }
0x30: {  	[tilespmem:s25], [sflag:$0x2] =	stream.indirect.gather [hbm4b:s3+s13], $0x40, s24, s13, $0xb8;
	[tilespmem:$0x14500] =	vst v63  }
0x31: {  	_ = 	snop  }
0x32: {  	[tilespmem:s28], [sflag:$0x2] =	stream.indirect.gather [hbm4b:s3+s13], $0x40, s26, s13, $0xb8;
	[tilespmem:$0x14500] =	vst v63  }
0x33: {  	_ = 	snop  }
0x34: {  	[tilespmem:s30], [sflag:$0x2] =	stream.indirect.gather [hbm4b:s3+s13], $0x40, s29, s13, $0xb8;
	[tilespmem:$0x14500] =	vst v63  }
0x35: {  	s11 =	simm.s32 $0x480  }
0x36: {  	[tilespmem:s0], [sflag:$0x2] =	stream.indirect.gather [hbm4b:s3+s13], $0x40, s11, s13, $0xb8;
	[tilespmem:$0x14500] =	vst v63  }
0x37: {  	_ =	swait.ge [sflag:s1], $0xA000  }
0x38: {  	s5 =	rddreg [dreg:$0x4]  }
0x39: {  	[sflag:s1] =	ssyncset.done $0x0;
	s11 =	rddreg [dreg:$0xb]  }
0x3a: {  	[sflag:s1] =	ssyncadd.s32 $0xFFFF6000;
	s9 =	sadd.s32 $0x0, s5;
	s10 =	sshrl.u32 s11, $0x3  }
0x3b: {  	[hbm4b:s9+s2] =	stream.linear.scatter [tilespmem:s14], [sflag:$0x3], $0xA000, $0x38;
	[tilespmem:$0x14500] =	vst v63  }
0x3c: {  	s10 =	sadd.s32 s4, s10  }
0x3d: {  	[tilespmem:s2], [sflag:$0x5] =	stream.linear.gather [hbm4b:s10+s2], $0x280, $0x38;
	[tilespmem:$0x14500] =	vst v63  }
0x3e: {  	_ =	swait.ge [sflag:s12], $0x280  }
0x3f: {  	[sflag:s12] =	ssyncset.done $0x0  }
0x40: {  	[sflag:s12] =	ssyncadd.s32 $0xFFFFFD80  }
0x41: {  	_ =	swait.ge [sflag:s6], $0xA000  }
0x42: {  	[sflag:s6] =	ssyncset.done $0x0  }
0x43: {  	[sflag:s6] =	ssyncadd.s32 $0xFFFF6000  }
0x44: {  	[tilespmem:s14], [sflag:$0x1] =	stream.indirect.gather [hbm4b:s3+s13], $0x40, s2, s13, $0xb8;
	[tilespmem:$0x14500] =	vst v63  }
0x45: {  	_ = 	snop  }
0x46: {  	[tilespmem:s16], [sflag:$0x1] =	stream.indirect.gather [hbm4b:s3+s13], $0x40, s13, s13, $0xb8;
	[tilespmem:$0x14500] =	vst v63  }
0x47: {  	_ = 	snop  }
0x48: {  	[tilespmem:s17], [sflag:$0x1] =	stream.indirect.gather [hbm4b:s3+s13], $0x40, s15, s13, $0xb8;
	[tilespmem:$0x14500] =	vst v63  }
0x49: {  	_ = 	snop  }
0x4a: {  	[tilespmem:s19], [sflag:$0x1] =	stream.indirect.gather [hbm4b:s3+s13], $0x40, s18, s13, $0xb8;
	[tilespmem:$0x14500] =	vst v63  }
0x4b: {  	_ = 	snop  }
0x4c: {  	[tilespmem:s21], [sflag:$0x1] =	stream.indirect.gather [hbm4b:s3+s13], $0x40, s20, s13, $0xb8;
	[tilespmem:$0x14500] =	vst v63  }
0x4d: {  	_ =	swait.ge [sflag:s7], $0xA000  }
0x4e: {  	s20 =	rddreg [dreg:$0x3];
	[sflag:s7] =	ssyncset.done $0x0  }
0x4f: {  	[sflag:s7] =	ssyncadd.s32 $0xFFFF6000;
	s9 =	sadd.s32 $0x0, s20  }
0x50: {  	[hbm4b:s9+s2] =	stream.linear.scatter [tilespmem:s23], [sflag:$0x4], $0xA000, $0x38;
	[tilespmem:$0x14500] =	vst v63  }
0x51: {  	s21 =	rddreg [dreg:$0xa]  }
0x52: {  	[tilespmem:s22], [sflag:$0x5] =	stream.linear.gather [hbm4b:s21+s2], $0x280, $0x38;
	[tilespmem:$0x14500] =	vst v63  }
0x53: {  	_ =	swait.ge [sflag:s12], $0x280  }
0x54: {  	[sflag:s12] =	ssyncset.done $0x0  }
0x55: {  	[sflag:s12] =	ssyncadd.s32 $0xFFFFFD80  }
0x56: {  	_ =	swait.ge [sflag:s8], $0xA000  }
0x57: {  	[sflag:s8] =	ssyncset.done $0x0  }
0x58: {  	s11 =	sadd.s32 $0x500, s11;
	s17 =	simm.s32 $0x100;
	[sflag:s8] =	ssyncadd.s32 $0xFFFF6000  }
0x59: {  	[tilespmem:s23], [sflag:$0x2] =	stream.indirect.gather [hbm4b:s3+s13], $0x40, s22, s13, $0xb8;
	[tilespmem:$0x14500] =	vst v63  }
0x5a: {  	s19 =	simm.s32 $0x180;
	s18 =	simm.s32 $0x4500;
	s10 =	sadd.s32 $0xA0, s21  }
0x5b: {  	[tilespmem:s25], [sflag:$0x2] =	stream.indirect.gather [hbm4b:s3+s13], $0x40, s24, s13, $0xb8;
	[tilespmem:$0x14500] =	vst v63  }
0x5c: {  	s20 =	simm.s32 $0x6500;
	s9 =	simm.s32 $0x2800;
	s21 =	simm.s32 $0x200  }
0x5d: {  	[tilespmem:s28], [sflag:$0x2] =	stream.indirect.gather [hbm4b:s3+s13], $0x40, s26, s13, $0xb8;
	[tilespmem:$0x14500] =	vst v63  }
0x5e: {  	s25 =	simm.s32 $0x300;
	s24 =	simm.s32 $0x8500;
	s28 =	simm.s32 $0x380  }
0x5f: {  	[tilespmem:s30], [sflag:$0x2] =	stream.indirect.gather [hbm4b:s3+s13], $0x40, s29, s13, $0xb8;
	[tilespmem:$0x14500] =	vst v63  }
0x60: {  	s26 =	simm.s32 $0xC500;
	s30 =	simm.s32 $0x400;
	s29 =	simm.s32 $0xE500  }
.LBB2_2:
0x61: {  	s5 =	simm.s32 $0x480  }
0x62: {  	[tilespmem:s0], [sflag:$0x2] =	stream.indirect.gather [hbm4b:s3+s13], $0x40, s5, s13, $0xb8;
	[tilespmem:$0x14500] =	vst v63  }
0x63: {  	_ =	swait.ge [sflag:s1], $0xA000  }
0x64: {  	s5 =	smov.u32 s9;
	s15 =	rddreg [dreg:$0x4];
	[sflag:s1] =	ssyncset.done $0x0  }
0x65: {  	s16 =	sshrl.u32 s11, $0x3;
	[sflag:s1] =	ssyncadd.s32 $0xFFFF6000;
	s15 =	sadd.s32 s5, s15  }
0x66: {  	[hbm4b:s15+s2] =	stream.linear.scatter [tilespmem:s14], [sflag:$0x3], $0xA000, $0x38;
	[tilespmem:$0x14500] =	vst v63  }
0x67: {  	s15 =	sadd.s32 s4, s16  }
0x68: {  	[tilespmem:s2], [sflag:$0x5] =	stream.linear.gather [hbm4b:s15+s2], $0x280, $0x38;
	[tilespmem:$0x14500] =	vst v63  }
0x69: {  	_ =	swait.ge [sflag:s12], $0x280  }
0x6a: {  	[sflag:s12] =	ssyncset.done $0x0  }
0x6b: {  	[sflag:s12] =	ssyncadd.s32 $0xFFFFFD80  }
0x6c: {  	_ =	swait.ge [sflag:s6], $0xA000  }
0x6d: {  	[sflag:s6] =	ssyncset.done $0x0  }
0x6e: {  	[sflag:s6] =	ssyncadd.s32 $0xFFFF6000  }
0x6f: {  	[tilespmem:s14], [sflag:$0x1] =	stream.indirect.gather [hbm4b:s3+s13], $0x40, s2, s13, $0xb8;
	[tilespmem:$0x14500] =	vst v63  }
0x70: {  	s16 =	simm.s32 $0x2500  }
0x71: {  	[tilespmem:s16], [sflag:$0x1] =	stream.indirect.gather [hbm4b:s3+s13], $0x40, s13, s13, $0xb8;
	[tilespmem:$0x14500] =	vst v63  }
0x72: {  	_ = 	snop  }
0x73: {  	[tilespmem:s18], [sflag:$0x1] =	stream.indirect.gather [hbm4b:s3+s13], $0x40, s17, s13, $0xb8;
	[tilespmem:$0x14500] =	vst v63  }
0x74: {  	_ = 	snop  }
0x75: {  	[tilespmem:s20], [sflag:$0x1] =	stream.indirect.gather [hbm4b:s3+s13], $0x40, s19, s13, $0xb8;
	[tilespmem:$0x14500] =	vst v63  }
0x76: {  	_ = 	snop  }
0x77: {  	[tilespmem:s24], [sflag:$0x1] =	stream.indirect.gather [hbm4b:s3+s13], $0x40, s21, s13, $0xb8;
	[tilespmem:$0x14500] =	vst v63  }
0x78: {  	_ =	swait.ge [sflag:s7], $0xA000  }
0x79: {  	s15 =	rddreg [dreg:$0x3];
	[sflag:s7] =	ssyncset.done $0x0  }
0x7a: {  	[sflag:s7] =	ssyncadd.s32 $0xFFFF6000;
	s5 =	sadd.s32 s5, s15  }
0x7b: {  	[hbm4b:s5+s2] =	stream.linear.scatter [tilespmem:s23], [sflag:$0x4], $0xA000, $0x38;
	[tilespmem:$0x14500] =	vst v63  }
0x7c: {  	_ = 	snop  }
0x7d: {  	[tilespmem:s22], [sflag:$0x5] =	stream.linear.gather [hbm4b:s10+s2], $0x280, $0x38;
	[tilespmem:$0x14500] =	vst v63  }
0x7e: {  	_ =	swait.ge [sflag:s12], $0x280  }
0x7f: {  	[sflag:s12] =	ssyncset.done $0x0  }
0x80: {  	[sflag:s12] =	ssyncadd.s32 $0xFFFFFD80  }
0x81: {  	_ =	swait.ge [sflag:s8], $0xA000  }
0x82: {  	[sflag:s8] =	ssyncset.done $0x0  }
0x83: {  	[sflag:s8] =	ssyncadd.s32 $0xFFFF6000  }
0x84: {  	[tilespmem:s23], [sflag:$0x2] =	stream.indirect.gather [hbm4b:s3+s13], $0x40, s22, s13, $0xb8;
	[tilespmem:$0x14500] =	vst v63  }
0x85: {  	p0 =	sne.s32 s9, $0x2D000  }
0x86: {  	[tilespmem:s26], [sflag:$0x2] =	stream.indirect.gather [hbm4b:s3+s13], $0x40, s25, s13, $0xb8;
	[tilespmem:$0x14500] =	vst v63  }
.Ltmp0:
0x87: {  	_ = 	snop;
	(pc) =	sbr.rel @p0 .LBB2_2-.Ltmp0, $4  }
0x88: {  	_ = 	snop  }
0x89: {  	[tilespmem:s29], [sflag:$0x2] =	stream.indirect.gather [hbm4b:s3+s13], $0x40, s28, s13, $0xb8;
	[tilespmem:$0x14500] =	vst v63  }
0x8a: {  	s11 =	sadd.s32 $0x500, s11;
	s9 =	sadd.s32 $0x2800, s9;
	s10 =	sadd.s32 $0xA0, s10  }
0x8b: {  	[tilespmem:s31], [sflag:$0x2] =	stream.indirect.gather [hbm4b:s3+s13], $0x40, s30, s13, $0xb8;
	[tilespmem:$0x14500] =	vst v63  }
0x8c: {  	s5 =	simm.s32 $0x480  }
0x8d: {  	[tilespmem:s0], [sflag:$0x2] =	stream.indirect.gather [hbm4b:s3+s13], $0x40, s5, s13, $0xb8;
	[tilespmem:$0x14500] =	vst v63  }
0x8e: {  	_ =	swait.ge [sflag:s1], $0xA000  }
0x8f: {  	[sflag:s1] =	ssyncset.done $0x0  }
0x90: {  	s24 =	rddreg [dreg:$0x7];
	[sflag:s1] =	ssyncadd.s32 $0xFFFF6000  }
0x91: {  	[hbm4b:s24+s2] =	stream.linear.scatter [tilespmem:s14], [sflag:$0x3], $0xA000, $0x38;
	[tilespmem:$0x14500] =	vst v63  }
0x92: {  	_ =	swait.ge [sflag:s7], $0xA000  }
0x93: {  	[sflag:s7] =	ssyncset.done $0x0  }
0x94: {  	s25 =	rddreg [dreg:$0x8];
	[sflag:s7] =	ssyncadd.s32 $0xFFFF6000  }
0x95: {  	[hbm4b:s25+s2] =	stream.linear.scatter [tilespmem:s23], [sflag:$0x4], $0xA000, $0x38;
	[tilespmem:$0x14500] =	vst v63  }
0x96: {  	_ =	swait.ge [sflag:s6], $0xA000  }
0x97: {  	[sflag:s6] =	ssyncset.done $0x0  }
0x98: {  	[sflag:s6] =	ssyncadd.s32 $0xFFFF6000  }
0x99: {  	_ =	swait.ge [sflag:s8], $0xA000  }
0x9a: {  	s9 =	rddreg [dreg:$0xc]  }
0x9b: {  	s26 =	rddreg [dreg:$0x9];
	s9 =	sadd.s32 $0x1, s9  }
0x9c: {  	p0 =	sne.s32 s9, s26  }
.Ltmp1:
0x9d: {  	s15 =	simm.s32 $0x100;
	s17 =	simm.s32 $0x4500;
	(pc) =	sbr.rel @p0 .LBB2_1-.Ltmp1, $4  }
0x9e: {  	s18 =	simm.s32 $0x180;
	s19 =	simm.s32 $0x6500;
	s20 =	simm.s32 $0x200  }
0x9f: {  	s21 =	simm.s32 $0x8500;
	s28 =	simm.s32 $0xE500;
	s29 =	simm.s32 $0x400  }
0xa0: {  	s30 =	simm.s32 $0x10500;
	s24 =	simm.s32 $0x300;
	[sflag:s8] =	ssyncset.done $0x0  }
0xa1: {  	s25 =	simm.s32 $0xC500;
	[sflag:s8] =	ssyncadd.s32 $0xFFFF6000;
	s26 =	simm.s32 $0x380  }
0xa2: {  	_ =	sfence.sel $0x180000  }
0xa3: {  	[bflag:$0x0] =	sbarrier.arrive $0xFFFF  }
0xa4: {  	_ =	strace $0x90000047  }
0xa5: {  	s0 =	stileid.u32;
	[bflag:$0x2] =	sbarrier.arrive $0xFFFF  }
0xa6: {  	p0 =	sne.s32 s0, $0x0;
	s0 =	rddreg [dreg:$0x2]  }
0xa7: {  	s0 =	sadd.s32 @!p0 $0x100000, s0  }
0xa8: {  	[sflag:s0] =	ssyncadd.tile.s32 @!p0 $0x1;
	_ =	shalt  }
.Lfunc_end2:
_tile_overlayer_lowered:
.L_overlay_start_2:
0xa9: {  	(tag) =	ssettag $0x2  }
0xaa: {  	s0 =	rddreg [dreg:$0x0];
	s2 =	stileid.u32  }
0xab: {  	s1 =	rddreg [dreg:$0x1];
	p0 =	sne.s32 s2, $0x0  }
0xac: {  	s3 =	rddreg [dreg:$0x2];
	[bflag:$0x3] =	sbarrier.arrive $0xFFFF;
	s2 =	simm.s32 @!p0 $0x1C05  }
0xad: {  	[timem:s3], [sflag:s2] =	dma.local @!p0 [hbm:s0], s1  }
0xae: {  	s0 =	simm.s32 @!p0 $0x5  }
0xaf: {  	_ =	swait.ge @!p0 [sflag:s0], s1  }
0xb0: {  	s1 =	ssub.s32 @!p0 $0x0, s1;
	[sflag:s0] =	ssyncset.done @!p0 $0x0  }
0xb1: {  	[sflag:s0] =	ssyncadd.s32 @!p0 s1  }
0xb2: {  	[bflag:$0x3] =	sbarrier.arrive $0xFFFF  }
0xb3: {  	_ =	shalt  }

// kernel: sparse-core-data-format-call.cloned.1.call-start
scs
called_computation_lowered:
.L_overlay_start_0:
0x0: {  	s2 =	sld [smem:$0x3FD9]  }
0x1: {  	s3 =	sld [smem:$0x3FFE];
	_ =	sdelay $0x1  }
0x2: {  	s1 =	srdreg.scid  }
0x3: {  	s0 =	sand.u32 $0x1, s1  }
0x4: {  	s18 =	sshll.u32 s0, $0xA;
	s2 =	sadd.s32 s3, s2  }
0x5: {  	s2 =	sadd.s32 s2, s18  }
0x6: {  	[smem:$0x3FC6] =	sst s2  }
0x7: {  	_ = 	snop  }
0x8: {  	s2 =	sld [smem:$0x3FD0];
	(tm) =	ssettm $0x1  }
0x9: {  	s19 =	sld [smem:$0x3FFB];
	_ =	sdelay $0x3  }
0xa: {  	_ =	strace s19  }
0xb: {  	s3 =	sld [smem:$0x3FFC];
	_ =	sdelay $0x3  }
0xc: {  	_ =	strace s3  }
0xd: {  	s3 =	sld [smem:$0x3FFD];
	_ =	sdelay $0x3  }
0xe: {  	_ =	strace s3  }
0xf: {  	_ =	strace $0x8FFFFFFF  }
0x10: {  	s20 =	sld [smem:$0x3FDB];
	_ =	sdelay $0x1  }
0x11: {  	s4 =	simm.s32 $_scs_section_size  }
0x12: {  	s5 =	simm.s32 $_size__tile_overlayer_lowered;
	s6 =	simm.s32 $_tile_overlayer_lowered  }
0x13: {  	s23 =	simm.s32 $0x1BFF;
	s22 =	sshll.u32 s6, $0x1;
	s3 =	sadd.s32 s4, s20  }
0x14: {  	s7 =	simm.s32 $0x0;
	s21 =	sshll.u32 s5, $0x1;
	s5 =	sadd.s32 s22, s3  }
0x15: {  	[timem:s7], [sflag:s23] =	dma.local [hbm:s5], s21  }
0x16: {  	_ =	swait.ge [sflag:s23], s21  }
0x17: {  	s4 =	ssub.s32 $0x0, s21;
	[sflag:s23] =	ssyncset.done $0x0  }
0x18: {  	[sflag:s23] =	ssyncadd.s32 s4;
	_ =	sdelay $0x1  }
0x19: {  	s24 =	simm.s32 $0x1B8B  }
0x1a: {  	_ =	swait.ge [sflag:s24], $0x1  }
0x1b: {  	[sflag:s24] =	ssyncset.done $0x0  }
0x1c: {  	s26 =	simm.s32 $0x1B8E;
	s25 =	sld [smem:$0x3FFE];
	[sflag:s24] =	ssyncadd.s32 $0xFFFFFFFF  }
0x1d: {  	s27 =	simm.s32 $execute0_lowered;
	[smem:$0x3FD2] =	sst s26  }
0x1e: {  	s5 =	sshll.u32 s27, $0x1;
	_ =	strace $0x80000049;
	[dreg:$0x1] =	wrdreg $0xFFFFFFFF  }
0x1f: {  	s28 =	simm.s32 $_size_execute0_lowered;
	s3 =	sadd.s32 s3, s5;
	[dreg:$0x0] =	wrdreg $0x0  }
0x20: {  	s5 =	sshll.u32 s28, $0x1;
	[dreg:$0x2] =	wrdreg s3  }
0x21: {  	[dreg:$0x3] =	wrdreg s5  }
0x22: {  	[dreg:$0x4] =	wrdreg $0xC0  }
0x23: {  	_ =	task [dreg:s7], $0x5FFFF  }
0x24: {  	[dreg:$0x1] =	wrdreg $0xFFFFFFFF  }
0x25: {  	[dreg:$0x0] =	wrdreg $0x60  }
0x26: {  	[dreg:$0x2] =	wrdreg s25  }
0x27: {  	[dreg:$0x3] =	wrdreg s2  }
0x28: {  	[dreg:$0x4] =	wrdreg $0x9  }
0x29: {  	_ =	task.clear_ibuf [dreg:s7], $0x5FFFF;
	_ =	strace $0x90000049  }
0x2a: {  	s29 =	simm.s32 $0x9;
	_ =	strace $0x8000004B  }
0x2b: {  	_ =	swait.ge [sflag:s29], $0x1  }
0x2c: {  	[sflag:s29] =	ssyncadd.s32 $0xFFFFFFFF  }
0x2d: {  	_ =	strace $0x9000004B  }
0x2e: {  	_ =	sfence  }
0x2f: {  	s30 =	sld [smem:$0x0];
	_ =	sdelay $0x2  }
0x30: {  	s31 =	sshll.u32 s1, $0xD;
	s1 =	sshrl.u32 s1, $0x2  }
0x31: {  	s3 =	sand.u32 $0x4000, s31;
	s1 =	sadd.s32 s1, s30  }
0x32: {  	s0 =	sor.u32 s3, s0;
	s1 =	sshll.u32 s1, $0x11  }
0x33: {  	s0 =	sor.u32 s1, s0  }
0x34: {  	s0 =	sadd.s32 $0x8F2B, s0  }
0x35: {  	[sflag:s0] =	ssyncadd.remote.s32 $0x1  }
0x36: {  	_ =	sfence.sel $0xFFFF  }
0x37: {  	[dreg:$0x0] =	wrdreg $0xFFFFFFFF;
	(pc) =	sbr.abs _section_cstart, $3  }
0x38: {  	[dreg:$0x1] =	wrdreg $0xFFFFFFFF  }
0x39: {  	_ =	task.clear_ibuf [dreg:s7], $0x2FFFF;
	_ =	strace $0x9FFFFFFF  }
0x3a: {  	(tm) =	ssettm $0x7FFFFFFF  }
0x3b: {  	_ =	shalt  }
tec
execute0_lowered:
.L_overlay_start_1:
0x0: {  	(tag) =	ssettag $0x1  }
0x1: {  	s0 =	srdreg.scid  }
0x2: {  	s1 =	sshll.u32 s0, $0x4  }
0x3: {  	s0 =	stileid.u32;
	s1 =	sand.u32 $0x10, s1  }
0x4: {  	s7 =	rddreg [dreg:$0x0];
	s1 =	sor.u32 s0, s1  }
0x5: {  	s4 =	simm.s32 $0x1;
	s8 =	simm.s32 $0x2;
	s2 =	sshll.u32 s1, $0x7  }
0x6: {  	s13 =	simm.s32 $0x0;
	s9 =	simm.s32 $0x20000;
	s1 =	ssub.s32 $0x4000, s2  }
0x7: {  	s14 =	simm.s32 $0x0;
	s11 =	simm.s32 $0x0;
	s3 =	sand.u32 $0xF80, s1  }
0x8: {  	s12 =	simm.s32 $0x0;
	s5 =	sshrl.u32 s1, $0xC;
	p0 =	sne.s32 s3, $0x0  }
.Ltmp0:
0x9: {  	s1 =	rddreg [dreg:$0x2];
	s4 =	simm.s32 @!p0 $0x0;
	(pc) =	sbr.rel .LBB1_1-.Ltmp0, $4  }
0xa: {  	s6 =	sadd.s32 $0xA00, s7;
	s3 =	rddreg [dreg:$0x1];
	s5 =	sadd.s32 s4, s5  }
0xb: {  	_ =	strace $0x8000004A;
	s4 =	simm.s32 $0x1;
	s5 =	smul.u32 $0x19, s5  }
0xc: {  	s7 =	sadd.s32 $0x40A00, s7;
	s10 =	smov.u32 s2;
	[sflag:s4] =	ssyncpa.u1 $0x0  }
0xd: {  	p0 =	por $0x0, $0x0;
	[sflag:s8] =	ssyncpa.u1 $0x0;
	s8 =	sadd.s32 $0x1, s5  }
.LBB1_7:
0xe: {  	s15 =	sadd.s32 $0x1000, s10  }
0xf: {  	s13 =	sadd.s32 $0x2, s11;
	s17 =	smov.u32 s11;
	p2 =	sgt.s32 s15, $0x3FFF  }
0x10: {  	s17 =	smov.u32 @p2 s13  }
0x11: {  	s15 =	smov.u32 @p2 s2;
	p2 =	sgt.s32 s17, $0x31  }
0x12: {  	s17 =	simm.s32 @p2 $0x0;
	p2 =	sne.s32 s12, s8  }
.Ltmp1:
0x13: {  	p1 =	slt.u32 s12, $0x2;
	(pc) =	sbr.rel @!p2 .LBB1_8-.Ltmp1, $4  }
0x14: {  	s16 =	simm.s32 @!p1 $0x2  }
0x15: {  	s14 =	smov.u32 s11;
	p0 =	por !p0, !p0;
	_ =	swait.ge @!p1 [sflag:s16], $0x4000  }
0x16: {  	s13 =	smov.u32 s10;
	[sflag:s16] =	ssyncset.done @!p1 $0x0;
	s10 =	smov.u32 s15  }
0x17: {  	s12 =	sadd.s32 $0x1, s12;
	[sflag:s16] =	ssyncadd.s32 @!p1 $0xFFFFC000;
	s11 =	smov.u32 s17  }
.LBB1_1:
0x18: {  	p1 =	sge.u32 s12, s5  }
0x19: {  	s15 =	sxor.u32 @!p1 $0xFFFFFFFF, s12;
	s16 =	sshll.u32 @!p1 s11, $0x12  }
0x1a: {  	s17 =	sshll.u32 @!p1 s10, $0x4;
	s19 =	simm.s32 @!p1 $0x40;
	s20 =	simm.s32 @!p1 $0x80  }
0x1b: {  	s15 =	sshll.u32 @!p1 s15, $0xE;
	s17 =	sand.u32 @!p1 $0x3FFF0, s17;
	s18 =	sadd.s32 @!p1 s6, s16  }
0x1c: {  	s16 =	sadd.s32 @!p1 s16, s7;
	s15 =	sand.u32 @!p1 $0x4000, s15;
	s18 =	sadd.s32 @!p1 s17, s18  }
0x1d: {  	[tilespmem:s15], [sflag:$0x1] =	stream.strided.gather @!p1 [hbm4b:s18+s19], $0x2000, s20, s19, $0x38;
	[tilespmem:$0x10100] =	vst v63  }
0x1e: {  	s31 =	sadd.s32 $0xFFFFFFFF, s12;
	s16 =	sadd.s32 @!p1 s17, s16;
	s15 =	sor.u32 @!p1 $0x2000, s15  }
0x1f: {  	[tilespmem:s15], [sflag:$0x1] =	stream.strided.gather @!p1 [hbm4b:s16+s19], $0x2000, s20, s19, $0x38;
	[tilespmem:$0x10100] =	vst v63  }
0x20: {  	p1 =	sge.u32 s31, s5  }
.Ltmp2:
0x21: {  	_ = 	snop;
	(pc) =	sbr.rel @p1 .LBB1_7-.Ltmp2, $1  }
0x22: {  	_ =	sdelay $0x3  }
0x23: {  	s15 =	simm.s32 $0x1;
	s17 =	sand.u32 $0x1, s12  }
0x24: {  	_ =	swait.ge [sflag:s4], $0x4000;
	s15 =	simm.s32 @!p0 $0x0;
	s17 =	smul.u32 $0x10200, s17  }
0x25: {  	p2 =	por $0x1, $0x1;
	[sflag:s4] =	ssyncset.done $0x0;
	s16 =	smul.u32 $0x10200, s15  }
0x26: {  	s18 =	sshll.u32 s15, $0x10;
	[sflag:s4] =	ssyncadd.s32 $0xFFFFC000;
	s30 =	sshrl.u32 s17, $0x2  }
0x27: {  	s31 =	sshrl.u32 s18, $0x2;
	s18 =	simm.s32 $0x0;
	s16 =	sshrl.u32 s16, $0x2  }
0x28: {  	s15 =	sor.u32 $0x8000, s30;
	s17 =	sadd.s32 $0x20, s31;
	s16 =	sor.u32 $0x8000, s16  }
.LBB1_3:
0x29: {  	s19 =	sshll.u32 s18, $0xD  }
0x2a: {  	s19 =	sand.u32 $0x3FFFE000, s19  }
0x2b: {  	s21 =	sadd.s32 s19, s17  }
0x2c: {  	s31 =	smul.u32 $0x8100, s18;
	v3 =	vld [tilespmem:s21+$0x10]  }
0x2d: {  	v1 =	vld [tilespmem:s21+$0xFFFFFFF0]  }
0x2e: {  	s18 =	sshra.s32 s31, $0x2;
	v0 =	vld [tilespmem:s21+$0x0]  }
0x2f: {  	s18 =	sadd.s32 s18, s16;
	v2 =	vld [tilespmem:s21+$0xFFFFFFE0]  }
0x30: {  	s19 =	sadd.s32 $0x0, s18  }
0x31: {  	p1 =	por p2, p2;
	s20 =	simm.s32 $0x4;
	s21 =	sadd.s32 $0x40, s21;
	[tilespmem:s19+$0x1830 ss:$0x81] =	vst.msk $0xffff, v3  }
.LBB1_4:
0x32: {  	v3 =	vld [tilespmem:s21+$0x10];
	p2 =	sne.s32 s20, $0x1FC;
	[tilespmem:s19+$0x810 ss:$0x81] =	vst.msk $0xffff, v1;
	s22 =	smov.u32 s20;
	s20 =	sadd.s32 $0x4, s20  }
.Ltmp3:
0x33: {  	v1 =	vld [tilespmem:s21+$0xFFFFFFF0];
	[tilespmem:s19+$0x1020 ss:$0x81] =	vst.msk $0xffff, v0;
	(pc) =	sbr.rel @p2 .LBB1_4-.Ltmp3, $4  }
0x34: {  	v0 =	vld [tilespmem:s21+$0x0];
	[tilespmem:s19+$0x0 ss:$0x81] =	vst.msk $0xffff, v2  }
0x35: {  	s19 =	sshra.s32 s22, $0x2;
	v2 =	vld [tilespmem:s21+$0xFFFFFFE0]  }
0x36: {  	s19 =	sadd.s32 s19, s18  }
0x37: {  	s21 =	sadd.s32 $0x40, s21;
	[tilespmem:s19+$0x1830 ss:$0x81] =	vst.msk $0xffff, v3  }
.Ltmp4:
0x38: {  	(pc) =	sbr.rel @p1 .LBB1_3-.Ltmp4, $4  }
0x39: {  	_ = 	snop  }
0x3a: {  	[tilespmem:s19+$0x810 ss:$0x81] =	vst.msk $0xffff, v1  }
0x3b: {  	[tilespmem:s19+$0x1020 ss:$0x81] =	vst.msk $0xffff, v0  }
0x3c: {  	s18 =	simm.s32 $0x1;
	p2 =	por $0x0, $0x0;
	[tilespmem:s19+$0x0 ss:$0x81] =	vst.msk $0xffff, v2  }
0x3d: {  	s16 =	sshll.u32 s13, $0x3;
	s17 =	sand.u32 $0x78, s13;
	s14 =	sshll.u32 s14, $0x11  }
.Ltmp5:
0x3e: {  	s30 =	sand.u32 $0x1F800, s13;
	s16 =	sand.u32 $0x3C00, s16;
	(pc) =	sbr.rel .LBB1_7-.Ltmp5, $4  }
0x3f: {  	s31 =	sand.u32 $0x7, s13;
	s14 =	sadd.s32 s3, s14;
	s16 =	sor.u32 s17, s16  }
0x40: {  	s13 =	sshll.u32 s31, $0x12;
	s14 =	sadd.s32 s30, s14;
	s16 =	sshrl.u32 s16, $0x3  }
0x41: {  	s13 =	sor.u32 $0x400, s13;
	s14 =	sadd.s32 s16, s14  }
0x42: {  	[hbm4b:s14+s13] =	stream.strided.scatter [tilespmem:s15], [sflag:$0x2], $0x4000, s9, s13, $0x20;
	[tilespmem:$0x10100] =	vst v63  }
.LBB1_8:
0x43: {  	_ =	sfence.sel $0x180000  }
0x44: {  	s2 =	simm.s32 $0x1;
	[bflag:$0x0] =	sbarrier.arrive $0xFFFF  }
0x45: {  	s31 =	simm.s32 $0x2;
	[sflag:s2] =	ssyncpa.u1 $0x1  }
0x46: {  	[sflag:s31] =	ssyncpa.u1 $0x1  }
0x47: {  	p0 =	sne.s32 s0, $0x0;
	_ =	strace $0x9000004A  }
0x48: {  	s0 =	sadd.s32 @!p0 $0x100000, s1;
	[bflag:$0x2] =	sbarrier.arrive $0xFFFF  }
0x49: {  	[sflag:s0] =	ssyncadd.tile.s32 @!p0 $0x1;
	_ =	shalt  }
.Lfunc_end1:
_tile_overlayer_lowered:
.L_overlay_start_2:
0x4a: {  	(tag) =	ssettag $0x2  }
0x4b: {  	s0 =	rddreg [dreg:$0x0];
	s2 =	stileid.u32  }
0x4c: {  	s1 =	rddreg [dreg:$0x1];
	p0 =	sne.s32 s2, $0x0  }
0x4d: {  	s3 =	rddreg [dreg:$0x2];
	[bflag:$0x3] =	sbarrier.arrive $0xFFFF;
	s2 =	simm.s32 @!p0 $0x1C01  }
0x4e: {  	[timem:s3], [sflag:s2] =	dma.local @!p0 [hbm:s0], s1  }
0x4f: {  	s0 =	simm.s32 @!p0 $0x1  }
0x50: {  	_ =	swait.ge @!p0 [sflag:s0], s1  }
0x51: {  	s1 =	ssub.s32 @!p0 $0x0, s1;
	[sflag:s0] =	ssyncset.done @!p0 $0x0  }
0x52: {  	[sflag:s0] =	ssyncadd.s32 @!p0 s1  }
0x53: {  	[bflag:$0x3] =	sbarrier.arrive $0xFFFF  }
0x54: {  	_ =	shalt  }

</sc_bundles>
